<compile_context>
chip_gen: v7x
topology: tpu7x:2x2x1
jax: 0.10.2.dev20260603
libtpu: 0.0.44.dev20260713+nightly
codegen_flags: <defaults>
</compile_context>

<pallas_src>
import math

import jax
import jax.numpy as jnp
import numpy as np
from jax import lax
from jax.experimental import pallas as pl
from jax.experimental.pallas import tpu as pltpu
from jax.experimental.pallas import tpu_sc as plsc

_D_MODEL = 768
_S = 32
_W = 256
_CTX = 3 * _W
_LANES = 16
_CHUNKS = _D_MODEL // _LANES


def _build_pe():
    pe = np.zeros((_CTX, _D_MODEL), dtype=np.float32)
    position = np.arange(0, _CTX, dtype=np.float32)[:, None]
    div_term = np.exp(
        np.arange(0, _D_MODEL, 2, dtype=np.float32) * (-math.log(10000.0) / _D_MODEL)
    )
    pe[:, 0::2] = np.sin(position * div_term)
    pe[:, 1::2] = np.cos(position * div_term)
    return pe


_PE = _build_pe()


def _top3_sc_kernel(fr_hbm, ft_hbm, out_hbm, row_v, ft_v, d_v, idx_v):
    wid = lax.axis_index("s") * 2 + lax.axis_index("c")
    pltpu.sync_copy(fr_hbm.at[pl.ds(wid * _D_MODEL, _D_MODEL)], row_v)
    pltpu.sync_copy(ft_hbm, ft_v)

    def h_step(hh, carry):
        d0v, d1v = carry
        fwc = row_v[pl.ds(hh * _LANES, _LANES)]
        for u in range(_LANES):
            h = hh * _LANES + u
            fw = fwc[u]
            r0 = ft_v[pl.ds(h * _S, _LANES)]
            r1 = ft_v[pl.ds(h * _S + _LANES, _LANES)]
            d0v = d0v + jnp.abs(r0 - fw)
            d1v = d1v + jnp.abs(r1 - fw)
        return (d0v, d1v)

    zeros = jnp.zeros((_LANES,), jnp.float32)
    d0v, d1v = lax.fori_loop(0, _CHUNKS, h_step, (zeros, zeros))
    inf = jnp.float32(np.inf)
    d_v[pl.ds(0, _LANES)] = d0v
    d_v[pl.ds(_LANES, _LANES)] = d1v
    d_v[pl.ds(2 * _LANES, _LANES)] = jnp.full((_LANES,), inf, jnp.float32)

    def j_step(j, carry):
        d0, d1, d2, i0, i1, i2 = carry
        d = d_v[pl.ds(j, _LANES)][0]
        lt0 = d < d0
        lt1 = d < d1
        lt2 = d < d2
        n_d0 = jnp.where(lt0, d, d0)
        n_i0 = jnp.where(lt0, j, i0)
        n_d1 = jnp.where(lt0, d0, jnp.where(lt1, d, d1))
        n_i1 = jnp.where(lt0, i0, jnp.where(lt1, j, i1))
        n_d2 = jnp.where(lt1, d1, jnp.where(lt2, d, d2))
        n_i2 = jnp.where(lt1, i1, jnp.where(lt2, j, i2))
        return (n_d0, n_d1, n_d2, n_i0, n_i1, n_i2)

    carry = lax.fori_loop(
        0, _S, j_step, (inf, inf, inf, jnp.int32(0), jnp.int32(0), jnp.int32(0))
    )
    _, _, _, i0, i1, i2 = carry
    iota = lax.iota(jnp.int32, _LANES)
    vec = jnp.where(
        iota == 0, i0, jnp.where(iota == 1, i1, jnp.where(iota == 2, i2, 0))
    )
    idx_v[...] = vec
    pltpu.sync_copy(idx_v, out_hbm.at[wid])


def _attn_kernel(idx_ref, x_ref, pe_ref, o_ref):
    i = pl.program_id(0)
    pe = pe_ref[...]
    a = x_ref[idx_ref[i, 0]] + pe[:_W]
    b = x_ref[idx_ref[i, 1]] + pe[_W : 2 * _W]
    c = x_ref[idx_ref[i, 2]] + pe[2 * _W :]
    q = a
    dn = (((1,), (1,)), ((), ()))
    s = jnp.concatenate(
        [
            jax.lax.dot_general(q, a, dn, preferred_element_type=jnp.float32),
            jax.lax.dot_general(q, b, dn, preferred_element_type=jnp.float32),
            jax.lax.dot_general(q, c, dn, preferred_element_type=jnp.float32),
        ],
        axis=1,
    ) * jnp.float32(1.0 / math.sqrt(_D_MODEL))
    m = jnp.max(s, axis=1, keepdims=True)
    e = jnp.exp(s - m)
    p = e / jnp.sum(e, axis=1, keepdims=True)
    o = (
        jnp.dot(p[:, :_W], a, preferred_element_type=jnp.float32)
        + jnp.dot(p[:, _W : 2 * _W], b, preferred_element_type=jnp.float32)
        + jnp.dot(p[:, 2 * _W :], c, preferred_element_type=jnp.float32)
    )
    o_ref[0] = o[: _W - 1]


def kernel(inputs):
    first = inputs[:, 0, :]
    first_r = first.reshape(-1)
    first_t = first.T.reshape(-1)
    mesh = plsc.VectorSubcoreMesh(core_axis_name="c", subcore_axis_name="s")
    top3 = pl.kernel(
        _top3_sc_kernel,
        out_type=jax.ShapeDtypeStruct((_S, _LANES), jnp.int32),
        mesh=mesh,
        scratch_types=[
            pltpu.VMEM((_D_MODEL,), jnp.float32),
            pltpu.VMEM((_S * _D_MODEL,), jnp.float32),
            pltpu.VMEM((3 * _LANES,), jnp.float32),
            pltpu.VMEM((_LANES,), jnp.int32),
        ],
    )(first_r, first_t)

    grid_spec = pltpu.PrefetchScalarGridSpec(
        num_scalar_prefetch=1,
        grid=(_S,),
        in_specs=[
            pl.BlockSpec((_S, _W, _D_MODEL), lambda i, idx: (0, 0, 0)),
            pl.BlockSpec((_CTX, _D_MODEL), lambda i, idx: (0, 0)),
        ],
        out_specs=pl.BlockSpec((1, _W - 1, _D_MODEL), lambda i, idx: (i, 0, 0)),
    )
    out = pl.pallas_call(
        _attn_kernel,
        grid_spec=grid_spec,
        out_shape=jax.ShapeDtypeStruct((_S, _W - 1, _D_MODEL), jnp.float32),
    )(top3, inputs, _PE)
    return out

# --- scband reference (transcript-rebuilt; emitter-appended) ---
"""Pipeline reference for scband-s-attention-11802570130231 (READ-ONLY COPY).

The authoritative reference and input builder live on the scoring server;
editing this copy changes nothing except your own understanding.
"""

import jax, jax.numpy as jnp
import numpy as np
import math

D_MODEL = 768
MAX_LEN = 1600

def make_pe():
    pe = np.zeros((MAX_LEN, D_MODEL), dtype=np.float32)
    position = np.arange(0, MAX_LEN, dtype=np.float32)[:, None]
    div_term = np.exp(np.arange(0, D_MODEL, 2, dtype=np.float32) * (-math.log(10000.0) / D_MODEL))
    pe[:, 0::2] = np.sin(position * div_term)
    pe[:, 1::2] = np.cos(position * div_term)
    return jnp.asarray(pe)


def setup_inputs(seed: int = 0) -> dict:
    key = jax.random.key(seed)
    inputs = jax.random.normal(key, (32, 256, 768), dtype=jnp.float32)
    return {"inputs": inputs}


def reference(inputs):
    # inputs: [sentence, word, hidden]
    pe = make_pe()
    sentence, word, hidden = inputs.shape
    # D_Attention.matmul: soft[i, j] = sum_h |inputs[i, 0, h] - inputs[j, 0, h]|
    first = inputs[:, 0, :]  # [S, H]
    soft = jnp.sum(jnp.abs(first[:, None, :] - first[None, :, :]), axis=-1)  # [S, S]
    # torch.sort(soft, dim=1, descending=False) -> ascending indices per row
    idx_sorted = jnp.argsort(soft, axis=1)
    top3 = idx_sorted[:, :3]  # sentence > 2 branch
    # out_cat[i] = cat(v[top3[i,0]], v[top3[i,1]], v[top3[i,2]], dim=0) -> [3*word, hidden]
    gathered = jnp.take(inputs, top3, axis=0)  # [S, 3, word, hidden]
    out_cat = gathered.reshape(sentence, 3 * word, hidden)
    # PositionalEncoding (dropout is identity in eval mode); applied to both inputs and questions
    x = out_cat + pe[None, : 3 * word, :]
    # AttentionCell per sentence: q = v = x_i, k = x_i^T
    def attn(xi):
        scores = jnp.matmul(xi, xi.T) / jnp.sqrt(jnp.asarray(hidden, dtype=xi.dtype))
        p_attn = jax.nn.softmax(scores, axis=-1)
        return jnp.matmul(p_attn, xi)
    fused = jax.vmap(attn)(x)  # [S, 3*word, hidden]
    # fusion_[0][: word - 1]
    out = fused[:, : word - 1, :]
    return out

if __name__ == "__main__":
    import jax
    _d = setup_inputs()
    print(jax.jit(kernel)(*tuple(_d.values())))

</pallas_src>

<mosaic_0001>
#map = affine_map<(d0, d1) -> (0)>
#map1 = affine_map<(d0, d1) -> (0, 0)>
module attributes {stable_mosaic.version = 14 : i64} {
  func.func @_top3_sc_kernel(%arg0: i32, %arg1: i32, %arg2: memref<24576xf32, #tpu.memory_space<hbm>>, %arg3: memref<24576xf32, #tpu.memory_space<hbm>>, %arg4: memref<32x16xi32, #tpu.memory_space<hbm>>, %arg5: memref<768xf32, #tpu.memory_space<vmem>>, %arg6: memref<24576xf32, #tpu.memory_space<vmem>>, %arg7: memref<48xf32, #tpu.memory_space<vmem>>, %arg8: memref<16xi32, #tpu.memory_space<vmem>>) attributes {dimension_semantics = [#tpu.dimension_semantics<core_parallel>, #tpu.dimension_semantics<subcore_parallel>], iteration_bounds = array<i64: 2, 16>, scalar_prefetch = 0 : i64, scratch_operands = 4 : i64, tpu.core_type = #tpu.core_type<sc_vector_subcore>, window_params = [{transform_indices = #map}, {transform_indices = #map}, {transform_indices = #map1}]} {
    %mul3A = arith.constant 2 : i32
    %mul3A_0 = arith.muli %arg1, %mul3A : i32
    %add3A = arith.addi %mul3A_0, %arg0 : i32
    %mul3A_1 = arith.constant 768 : i32
    %mul3A_2 = arith.muli %add3A, %mul3A_1 : i32
    "tpu.region"() ({
      %run_scoped3A = tpu.sem_alloc : memref<!tpu.dma_semaphore, #tpu.memory_space<semaphore_mem>>
      %dma_start3A = tpu.memref_slice %arg2[%mul3A_2] : memref<24576xf32, #tpu.memory_space<hbm>> -> memref<768xf32, #tpu.memory_space<hbm>>
      %dma_start3A_52 = tpu.memref_slice %arg2[%mul3A_2] : memref<24576xf32, #tpu.memory_space<hbm>> -> memref<768xf32, #tpu.memory_space<hbm>>
      tpu.enqueue_dma source(%dma_start3A_52 : memref<768xf32, #tpu.memory_space<hbm>>) target(%arg5 : memref<768xf32, #tpu.memory_space<vmem>>) target_semaphore(%run_scoped3A : memref<!tpu.dma_semaphore, #tpu.memory_space<semaphore_mem>>)
      %dma_wait3A = tpu.memref_slice %arg2[%mul3A_2] : memref<24576xf32, #tpu.memory_space<hbm>> -> memref<768xf32, #tpu.memory_space<hbm>>
      %dma_wait3A_53 = tpu.memref_slice %arg2[%mul3A_2] : memref<24576xf32, #tpu.memory_space<hbm>> -> memref<768xf32, #tpu.memory_space<hbm>>
      tpu.wait_dma2 semaphore(%run_scoped3A : memref<!tpu.dma_semaphore, #tpu.memory_space<semaphore_mem>>) src(%dma_wait3A_53 : memref<768xf32, #tpu.memory_space<hbm>>) dst(%arg5 : memref<768xf32, #tpu.memory_space<vmem>>)
      tpu.yield
    }) : () -> ()
    "tpu.region"() ({
      %run_scoped3A = tpu.sem_alloc : memref<!tpu.dma_semaphore, #tpu.memory_space<semaphore_mem>>
      tpu.enqueue_dma source(%arg3 : memref<24576xf32, #tpu.memory_space<hbm>>) target(%arg6 : memref<24576xf32, #tpu.memory_space<vmem>>) target_semaphore(%run_scoped3A : memref<!tpu.dma_semaphore, #tpu.memory_space<semaphore_mem>>)
      tpu.wait_dma2 semaphore(%run_scoped3A : memref<!tpu.dma_semaphore, #tpu.memory_space<semaphore_mem>>) src(%arg3 : memref<24576xf32, #tpu.memory_space<hbm>>) dst(%arg6 : memref<24576xf32, #tpu.memory_space<vmem>>)
      tpu.yield
    }) : () -> ()
    %broadcast_in_dim3A = arith.constant 0.000000e+00 : f32
    %broadcast_in_dim3A_3 = vector.broadcast %broadcast_in_dim3A : f32 to vector<16xf32>
    %scan3A = arith.constant 0 : i32
    %scan3A_4 = arith.constant 48 : i32
    %scan3A_5 = arith.addi %scan3A, %scan3A_4 : i32
    %scan3A_6 = arith.constant 1 : i32
    %scan3A_7:2 = scf.for %scan3A_52 = %scan3A to %scan3A_5 step %scan3A_6 iter_args(%scan3A_53 = %broadcast_in_dim3A_3, %scan3A_54 = %broadcast_in_dim3A_3) -> (vector<16xf32>, vector<16xf32>)  : i32 {
      %mul3A_55 = arith.constant 16 : i32
      %mul3A_56 = arith.muli %scan3A_52, %mul3A_55 : i32
      %get3A = arith.index_cast %mul3A_56 : i32 to index
      %get3A_57 = tpu.vector_load %arg5[%get3A] {strides = array<i32>} : memref<768xf32, #tpu.memory_space<vmem>>, vector<16xf32>,
      %get3A_58 = vector.shape_cast %get3A_57 : vector<16xf32> to vector<16xf32>
      %mul3A_59 = arith.constant 16 : i32
      %mul3A_60 = arith.muli %scan3A_52, %mul3A_59 : i32
      %add3A_61 = arith.constant 0 : i32
      %add3A_62 = arith.addi %mul3A_60, %add3A_61 : i32
      %slice3A = vector.extract_strided_slice %get3A_58 {offsets = [0], sizes = [1], strides = [1]} : vector<16xf32> to vector<1xf32>
      %squeeze3A = vector.extract %slice3A[0] : f32 from vector<1xf32>
      %mul3A_63 = arith.constant 32 : i32
      %mul3A_64 = arith.muli %add3A_62, %mul3A_63 : i32
      %get3A_65 = arith.index_cast %mul3A_64 : i32 to index
      %get3A_66 = tpu.vector_load %arg6[%get3A_65] {strides = array<i32>} : memref<24576xf32, #tpu.memory_space<vmem>>, vector<16xf32>,
      %get3A_67 = vector.shape_cast %get3A_66 : vector<16xf32> to vector<16xf32>
      %mul3A_68 = arith.constant 32 : i32
      %mul3A_69 = arith.muli %add3A_62, %mul3A_68 : i32
      %add3A_70 = arith.constant 16 : i32
      %add3A_71 = arith.addi %mul3A_69, %add3A_70 : i32
      %get3A_72 = arith.index_cast %add3A_71 : i32 to index
      %get3A_73 = tpu.vector_load %arg6[%get3A_72] {strides = array<i32>} : memref<24576xf32, #tpu.memory_space<vmem>>, vector<16xf32>,
      %get3A_74 = vector.shape_cast %get3A_73 : vector<16xf32> to vector<16xf32>
      %sub3A = vector.broadcast %squeeze3A : f32 to vector<16xf32>
      %sub3A_75 = arith.subf %get3A_67, %sub3A : vector<16xf32>
      %abs3A = math.absf %sub3A_75 : vector<16xf32>
      %add3A_76 = arith.addf %scan3A_53, %abs3A : vector<16xf32>
      %sub3A_77 = vector.broadcast %squeeze3A : f32 to vector<16xf32>
      %sub3A_78 = arith.subf %get3A_74, %sub3A_77 : vector<16xf32>
      %abs3A_79 = math.absf %sub3A_78 : vector<16xf32>
      %add3A_80 = arith.addf %scan3A_54, %abs3A_79 : vector<16xf32>
      %mul3A_81 = arith.constant 16 : i32
      %mul3A_82 = arith.muli %scan3A_52, %mul3A_81 : i32
      %add3A_83 = arith.constant 1 : i32
      %add3A_84 = arith.addi %mul3A_82, %add3A_83 : i32
      %slice3A_85 = vector.extract_strided_slice %get3A_58 {offsets = [1], sizes = [1], strides = [1]} : vector<16xf32> to vector<1xf32>
      %squeeze3A_86 = vector.extract %slice3A_85[0] : f32 from vector<1xf32>
      %mul3A_87 = arith.constant 32 : i32
      %mul3A_88 = arith.muli %add3A_84, %mul3A_87 : i32
      %get3A_89 = arith.index_cast %mul3A_88 : i32 to index
      %get3A_90 = tpu.vector_load %arg6[%get3A_89] {strides = array<i32>} : memref<24576xf32, #tpu.memory_space<vmem>>, vector<16xf32>,
      %get3A_91 = vector.shape_cast %get3A_90 : vector<16xf32> to vector<16xf32>
      %mul3A_92 = arith.constant 32 : i32
      %mul3A_93 = arith.muli %add3A_84, %mul3A_92 : i32
      %add3A_94 = arith.constant 16 : i32
      %add3A_95 = arith.addi %mul3A_93, %add3A_94 : i32
      %get3A_96 = arith.index_cast %add3A_95 : i32 to index
      %get3A_97 = tpu.vector_load %arg6[%get3A_96] {strides = array<i32>} : memref<24576xf32, #tpu.memory_space<vmem>>, vector<16xf32>,
      %get3A_98 = vector.shape_cast %get3A_97 : vector<16xf32> to vector<16xf32>
      %sub3A_99 = vector.broadcast %squeeze3A_86 : f32 to vector<16xf32>
      %sub3A_100 = arith.subf %get3A_91, %sub3A_99 : vector<16xf32>
      %abs3A_101 = math.absf %sub3A_100 : vector<16xf32>
      %add3A_102 = arith.addf %add3A_76, %abs3A_101 : vector<16xf32>
      %sub3A_103 = vector.broadcast %squeeze3A_86 : f32 to vector<16xf32>
      %sub3A_104 = arith.subf %get3A_98, %sub3A_103 : vector<16xf32>
      %abs3A_105 = math.absf %sub3A_104 : vector<16xf32>
      %add3A_106 = arith.addf %add3A_80, %abs3A_105 : vector<16xf32>
      %mul3A_107 = arith.constant 16 : i32
      %mul3A_108 = arith.muli %scan3A_52, %mul3A_107 : i32
      %add3A_109 = arith.constant 2 : i32
      %add3A_110 = arith.addi %mul3A_108, %add3A_109 : i32
      %slice3A_111 = vector.extract_strided_slice %get3A_58 {offsets = [2], sizes = [1], strides = [1]} : vector<16xf32> to vector<1xf32>
      %squeeze3A_112 = vector.extract %slice3A_111[0] : f32 from vector<1xf32>
      %mul3A_113 = arith.constant 32 : i32
      %mul3A_114 = arith.muli %add3A_110, %mul3A_113 : i32
      %get3A_115 = arith.index_cast %mul3A_114 : i32 to index
      %get3A_116 = tpu.vector_load %arg6[%get3A_115] {strides = array<i32>} : memref<24576xf32, #tpu.memory_space<vmem>>, vector<16xf32>,
      %get3A_117 = vector.shape_cast %get3A_116 : vector<16xf32> to vector<16xf32>
      %mul3A_118 = arith.constant 32 : i32
      %mul3A_119 = arith.muli %add3A_110, %mul3A_118 : i32
      %add3A_120 = arith.constant 16 : i32
      %add3A_121 = arith.addi %mul3A_119, %add3A_120 : i32
      %get3A_122 = arith.index_cast %add3A_121 : i32 to index
      %get3A_123 = tpu.vector_load %arg6[%get3A_122] {strides = array<i32>} : memref<24576xf32, #tpu.memory_space<vmem>>, vector<16xf32>,
      %get3A_124 = vector.shape_cast %get3A_123 : vector<16xf32> to vector<16xf32>
      %sub3A_125 = vector.broadcast %squeeze3A_112 : f32 to vector<16xf32>
      %sub3A_126 = arith.subf %get3A_117, %sub3A_125 : vector<16xf32>
      %abs3A_127 = math.absf %sub3A_126 : vector<16xf32>
      %add3A_128 = arith.addf %add3A_102, %abs3A_127 : vector<16xf32>
      %sub3A_129 = vector.broadcast %squeeze3A_112 : f32 to vector<16xf32>
      %sub3A_130 = arith.subf %get3A_124, %sub3A_129 : vector<16xf32>
      %abs3A_131 = math.absf %sub3A_130 : vector<16xf32>
      %add3A_132 = arith.addf %add3A_106, %abs3A_131 : vector<16xf32>
      %mul3A_133 = arith.constant 16 : i32
      %mul3A_134 = arith.muli %scan3A_52, %mul3A_133 : i32
      %add3A_135 = arith.constant 3 : i32
      %add3A_136 = arith.addi %mul3A_134, %add3A_135 : i32
      %slice3A_137 = vector.extract_strided_slice %get3A_58 {offsets = [3], sizes = [1], strides = [1]} : vector<16xf32> to vector<1xf32>
      %squeeze3A_138 = vector.extract %slice3A_137[0] : f32 from vector<1xf32>
      %mul3A_139 = arith.constant 32 : i32
      %mul3A_140 = arith.muli %add3A_136, %mul3A_139 : i32
      %get3A_141 = arith.index_cast %mul3A_140 : i32 to index
      %get3A_142 = tpu.vector_load %arg6[%get3A_141] {strides = array<i32>} : memref<24576xf32, #tpu.memory_space<vmem>>, vector<16xf32>,
      %get3A_143 = vector.shape_cast %get3A_142 : vector<16xf32> to vector<16xf32>
      %mul3A_144 = arith.constant 32 : i32
      %mul3A_145 = arith.muli %add3A_136, %mul3A_144 : i32
      %add3A_146 = arith.constant 16 : i32
      %add3A_147 = arith.addi %mul3A_145, %add3A_146 : i32
      %get3A_148 = arith.index_cast %add3A_147 : i32 to index
      %get3A_149 = tpu.vector_load %arg6[%get3A_148] {strides = array<i32>} : memref<24576xf32, #tpu.memory_space<vmem>>, vector<16xf32>,
      %get3A_150 = vector.shape_cast %get3A_149 : vector<16xf32> to vector<16xf32>
      %sub3A_151 = vector.broadcast %squeeze3A_138 : f32 to vector<16xf32>
      %sub3A_152 = arith.subf %get3A_143, %sub3A_151 : vector<16xf32>
      %abs3A_153 = math.absf %sub3A_152 : vector<16xf32>
      %add3A_154 = arith.addf %add3A_128, %abs3A_153 : vector<16xf32>
      %sub3A_155 = vector.broadcast %squeeze3A_138 : f32 to vector<16xf32>
      %sub3A_156 = arith.subf %get3A_150, %sub3A_155 : vector<16xf32>
      %abs3A_157 = math.absf %sub3A_156 : vector<16xf32>
      %add3A_158 = arith.addf %add3A_132, %abs3A_157 : vector<16xf32>
      %mul3A_159 = arith.constant 16 : i32
      %mul3A_160 = arith.muli %scan3A_52, %mul3A_159 : i32
      %add3A_161 = arith.constant 4 : i32
      %add3A_162 = arith.addi %mul3A_160, %add3A_161 : i32
      %slice3A_163 = vector.extract_strided_slice %get3A_58 {offsets = [4], sizes = [1], strides = [1]} : vector<16xf32> to vector<1xf32>
      %squeeze3A_164 = vector.extract %slice3A_163[0] : f32 from vector<1xf32>
      %mul3A_165 = arith.constant 32 : i32
      %mul3A_166 = arith.muli %add3A_162, %mul3A_165 : i32
      %get3A_167 = arith.index_cast %mul3A_166 : i32 to index
      %get3A_168 = tpu.vector_load %arg6[%get3A_167] {strides = array<i32>} : memref<24576xf32, #tpu.memory_space<vmem>>, vector<16xf32>,
      %get3A_169 = vector.shape_cast %get3A_168 : vector<16xf32> to vector<16xf32>
      %mul3A_170 = arith.constant 32 : i32
      %mul3A_171 = arith.muli %add3A_162, %mul3A_170 : i32
      %add3A_172 = arith.constant 16 : i32
      %add3A_173 = arith.addi %mul3A_171, %add3A_172 : i32
      %get3A_174 = arith.index_cast %add3A_173 : i32 to index
      %get3A_175 = tpu.vector_load %arg6[%get3A_174] {strides = array<i32>} : memref<24576xf32, #tpu.memory_space<vmem>>, vector<16xf32>,
      %get3A_176 = vector.shape_cast %get3A_175 : vector<16xf32> to vector<16xf32>
      %sub3A_177 = vector.broadcast %squeeze3A_164 : f32 to vector<16xf32>
      %sub3A_178 = arith.subf %get3A_169, %sub3A_177 : vector<16xf32>
      %abs3A_179 = math.absf %sub3A_178 : vector<16xf32>
      %add3A_180 = arith.addf %add3A_154, %abs3A_179 : vector<16xf32>
      %sub3A_181 = vector.broadcast %squeeze3A_164 : f32 to vector<16xf32>
      %sub3A_182 = arith.subf %get3A_176, %sub3A_181 : vector<16xf32>
      %abs3A_183 = math.absf %sub3A_182 : vector<16xf32>
      %add3A_184 = arith.addf %add3A_158, %abs3A_183 : vector<16xf32>
      %mul3A_185 = arith.constant 16 : i32
      %mul3A_186 = arith.muli %scan3A_52, %mul3A_185 : i32
      %add3A_187 = arith.constant 5 : i32
      %add3A_188 = arith.addi %mul3A_186, %add3A_187 : i32
      %slice3A_189 = vector.extract_strided_slice %get3A_58 {offsets = [5], sizes = [1], strides = [1]} : vector<16xf32> to vector<1xf32>
      %squeeze3A_190 = vector.extract %slice3A_189[0] : f32 from vector<1xf32>
      %mul3A_191 = arith.constant 32 : i32
      %mul3A_192 = arith.muli %add3A_188, %mul3A_191 : i32
      %get3A_193 = arith.index_cast %mul3A_192 : i32 to index
      %get3A_194 = tpu.vector_load %arg6[%get3A_193] {strides = array<i32>} : memref<24576xf32, #tpu.memory_space<vmem>>, vector<16xf32>,
      %get3A_195 = vector.shape_cast %get3A_194 : vector<16xf32> to vector<16xf32>
      %mul3A_196 = arith.constant 32 : i32
      %mul3A_197 = arith.muli %add3A_188, %mul3A_196 : i32
      %add3A_198 = arith.constant 16 : i32
      %add3A_199 = arith.addi %mul3A_197, %add3A_198 : i32
      %get3A_200 = arith.index_cast %add3A_199 : i32 to index
      %get3A_201 = tpu.vector_load %arg6[%get3A_200] {strides = array<i32>} : memref<24576xf32, #tpu.memory_space<vmem>>, vector<16xf32>,
      %get3A_202 = vector.shape_cast %get3A_201 : vector<16xf32> to vector<16xf32>
      %sub3A_203 = vector.broadcast %squeeze3A_190 : f32 to vector<16xf32>
      %sub3A_204 = arith.subf %get3A_195, %sub3A_203 : vector<16xf32>
      %abs3A_205 = math.absf %sub3A_204 : vector<16xf32>
      %add3A_206 = arith.addf %add3A_180, %abs3A_205 : vector<16xf32>
      %sub3A_207 = vector.broadcast %squeeze3A_190 : f32 to vector<16xf32>
      %sub3A_208 = arith.subf %get3A_202, %sub3A_207 : vector<16xf32>
      %abs3A_209 = math.absf %sub3A_208 : vector<16xf32>
      %add3A_210 = arith.addf %add3A_184, %abs3A_209 : vector<16xf32>
      %mul3A_211 = arith.constant 16 : i32
      %mul3A_212 = arith.muli %scan3A_52, %mul3A_211 : i32
      %add3A_213 = arith.constant 6 : i32
      %add3A_214 = arith.addi %mul3A_212, %add3A_213 : i32
      %slice3A_215 = vector.extract_strided_slice %get3A_58 {offsets = [6], sizes = [1], strides = [1]} : vector<16xf32> to vector<1xf32>
      %squeeze3A_216 = vector.extract %slice3A_215[0] : f32 from vector<1xf32>
      %mul3A_217 = arith.constant 32 : i32
      %mul3A_218 = arith.muli %add3A_214, %mul3A_217 : i32
      %get3A_219 = arith.index_cast %mul3A_218 : i32 to index
      %get3A_220 = tpu.vector_load %arg6[%get3A_219] {strides = array<i32>} : memref<24576xf32, #tpu.memory_space<vmem>>, vector<16xf32>,
      %get3A_221 = vector.shape_cast %get3A_220 : vector<16xf32> to vector<16xf32>
      %mul3A_222 = arith.constant 32 : i32
      %mul3A_223 = arith.muli %add3A_214, %mul3A_222 : i32
      %add3A_224 = arith.constant 16 : i32
      %add3A_225 = arith.addi %mul3A_223, %add3A_224 : i32
      %get3A_226 = arith.index_cast %add3A_225 : i32 to index
      %get3A_227 = tpu.vector_load %arg6[%get3A_226] {strides = array<i32>} : memref<24576xf32, #tpu.memory_space<vmem>>, vector<16xf32>,
      %get3A_228 = vector.shape_cast %get3A_227 : vector<16xf32> to vector<16xf32>
      %sub3A_229 = vector.broadcast %squeeze3A_216 : f32 to vector<16xf32>
      %sub3A_230 = arith.subf %get3A_221, %sub3A_229 : vector<16xf32>
      %abs3A_231 = math.absf %sub3A_230 : vector<16xf32>
      %add3A_232 = arith.addf %add3A_206, %abs3A_231 : vector<16xf32>
      %sub3A_233 = vector.broadcast %squeeze3A_216 : f32 to vector<16xf32>
      %sub3A_234 = arith.subf %get3A_228, %sub3A_233 : vector<16xf32>
      %abs3A_235 = math.absf %sub3A_234 : vector<16xf32>
      %add3A_236 = arith.addf %add3A_210, %abs3A_235 : vector<16xf32>
      %mul3A_237 = arith.constant 16 : i32
      %mul3A_238 = arith.muli %scan3A_52, %mul3A_237 : i32
      %add3A_239 = arith.constant 7 : i32
      %add3A_240 = arith.addi %mul3A_238, %add3A_239 : i32
      %slice3A_241 = vector.extract_strided_slice %get3A_58 {offsets = [7], sizes = [1], strides = [1]} : vector<16xf32> to vector<1xf32>
      %squeeze3A_242 = vector.extract %slice3A_241[0] : f32 from vector<1xf32>
      %mul3A_243 = arith.constant 32 : i32
      %mul3A_244 = arith.muli %add3A_240, %mul3A_243 : i32
      %get3A_245 = arith.index_cast %mul3A_244 : i32 to index
      %get3A_246 = tpu.vector_load %arg6[%get3A_245] {strides = array<i32>} : memref<24576xf32, #tpu.memory_space<vmem>>, vector<16xf32>,
      %get3A_247 = vector.shape_cast %get3A_246 : vector<16xf32> to vector<16xf32>
      %mul3A_248 = arith.constant 32 : i32
      %mul3A_249 = arith.muli %add3A_240, %mul3A_248 : i32
      %add3A_250 = arith.constant 16 : i32
      %add3A_251 = arith.addi %mul3A_249, %add3A_250 : i32
      %get3A_252 = arith.index_cast %add3A_251 : i32 to index
      %get3A_253 = tpu.vector_load %arg6[%get3A_252] {strides = array<i32>} : memref<24576xf32, #tpu.memory_space<vmem>>, vector<16xf32>,
      %get3A_254 = vector.shape_cast %get3A_253 : vector<16xf32> to vector<16xf32>
      %sub3A_255 = vector.broadcast %squeeze3A_242 : f32 to vector<16xf32>
      %sub3A_256 = arith.subf %get3A_247, %sub3A_255 : vector<16xf32>
      %abs3A_257 = math.absf %sub3A_256 : vector<16xf32>
      %add3A_258 = arith.addf %add3A_232, %abs3A_257 : vector<16xf32>
      %sub3A_259 = vector.broadcast %squeeze3A_242 : f32 to vector<16xf32>
      %sub3A_260 = arith.subf %get3A_254, %sub3A_259 : vector<16xf32>
      %abs3A_261 = math.absf %sub3A_260 : vector<16xf32>
      %add3A_262 = arith.addf %add3A_236, %abs3A_261 : vector<16xf32>
      %mul3A_263 = arith.constant 16 : i32
      %mul3A_264 = arith.muli %scan3A_52, %mul3A_263 : i32
      %add3A_265 = arith.constant 8 : i32
      %add3A_266 = arith.addi %mul3A_264, %add3A_265 : i32
      %slice3A_267 = vector.extract_strided_slice %get3A_58 {offsets = [8], sizes = [1], strides = [1]} : vector<16xf32> to vector<1xf32>
      %squeeze3A_268 = vector.extract %slice3A_267[0] : f32 from vector<1xf32>
      %mul3A_269 = arith.constant 32 : i32
      %mul3A_270 = arith.muli %add3A_266, %mul3A_269 : i32
      %get3A_271 = arith.index_cast %mul3A_270 : i32 to index
      %get3A_272 = tpu.vector_load %arg6[%get3A_271] {strides = array<i32>} : memref<24576xf32, #tpu.memory_space<vmem>>, vector<16xf32>,
      %get3A_273 = vector.shape_cast %get3A_272 : vector<16xf32> to vector<16xf32>
      %mul3A_274 = arith.constant 32 : i32
      %mul3A_275 = arith.muli %add3A_266, %mul3A_274 : i32
      %add3A_276 = arith.constant 16 : i32
      %add3A_277 = arith.addi %mul3A_275, %add3A_276 : i32
      %get3A_278 = arith.index_cast %add3A_277 : i32 to index
      %get3A_279 = tpu.vector_load %arg6[%get3A_278] {strides = array<i32>} : memref<24576xf32, #tpu.memory_space<vmem>>, vector<16xf32>,
      %get3A_280 = vector.shape_cast %get3A_279 : vector<16xf32> to vector<16xf32>
      %sub3A_281 = vector.broadcast %squeeze3A_268 : f32 to vector<16xf32>
      %sub3A_282 = arith.subf %get3A_273, %sub3A_281 : vector<16xf32>
      %abs3A_283 = math.absf %sub3A_282 : vector<16xf32>
      %add3A_284 = arith.addf %add3A_258, %abs3A_283 : vector<16xf32>
      %sub3A_285 = vector.broadcast %squeeze3A_268 : f32 to vector<16xf32>
      %sub3A_286 = arith.subf %get3A_280, %sub3A_285 : vector<16xf32>
      %abs3A_287 = math.absf %sub3A_286 : vector<16xf32>
      %add3A_288 = arith.addf %add3A_262, %abs3A_287 : vector<16xf32>
      %mul3A_289 = arith.constant 16 : i32
      %mul3A_290 = arith.muli %scan3A_52, %mul3A_289 : i32
      %add3A_291 = arith.constant 9 : i32
      %add3A_292 = arith.addi %mul3A_290, %add3A_291 : i32
      %slice3A_293 = vector.extract_strided_slice %get3A_58 {offsets = [9], sizes = [1], strides = [1]} : vector<16xf32> to vector<1xf32>
      %squeeze3A_294 = vector.extract %slice3A_293[0] : f32 from vector<1xf32>
      %mul3A_295 = arith.constant 32 : i32
      %mul3A_296 = arith.muli %add3A_292, %mul3A_295 : i32
      %get3A_297 = arith.index_cast %mul3A_296 : i32 to index
      %get3A_298 = tpu.vector_load %arg6[%get3A_297] {strides = array<i32>} : memref<24576xf32, #tpu.memory_space<vmem>>, vector<16xf32>,
      %get3A_299 = vector.shape_cast %get3A_298 : vector<16xf32> to vector<16xf32>
      %mul3A_300 = arith.constant 32 : i32
      %mul3A_301 = arith.muli %add3A_292, %mul3A_300 : i32
      %add3A_302 = arith.constant 16 : i32
      %add3A_303 = arith.addi %mul3A_301, %add3A_302 : i32
      %get3A_304 = arith.index_cast %add3A_303 : i32 to index
      %get3A_305 = tpu.vector_load %arg6[%get3A_304] {strides = array<i32>} : memref<24576xf32, #tpu.memory_space<vmem>>, vector<16xf32>,
      %get3A_306 = vector.shape_cast %get3A_305 : vector<16xf32> to vector<16xf32>
      %sub3A_307 = vector.broadcast %squeeze3A_294 : f32 to vector<16xf32>
      %sub3A_308 = arith.subf %get3A_299, %sub3A_307 : vector<16xf32>
      %abs3A_309 = math.absf %sub3A_308 : vector<16xf32>
      %add3A_310 = arith.addf %add3A_284, %abs3A_309 : vector<16xf32>
      %sub3A_311 = vector.broadcast %squeeze3A_294 : f32 to vector<16xf32>
      %sub3A_312 = arith.subf %get3A_306, %sub3A_311 : vector<16xf32>
      %abs3A_313 = math.absf %sub3A_312 : vector<16xf32>
      %add3A_314 = arith.addf %add3A_288, %abs3A_313 : vector<16xf32>
      %mul3A_315 = arith.constant 16 : i32
      %mul3A_316 = arith.muli %scan3A_52, %mul3A_315 : i32
      %add3A_317 = arith.constant 10 : i32
      %add3A_318 = arith.addi %mul3A_316, %add3A_317 : i32
      %slice3A_319 = vector.extract_strided_slice %get3A_58 {offsets = [10], sizes = [1], strides = [1]} : vector<16xf32> to vector<1xf32>
      %squeeze3A_320 = vector.extract %slice3A_319[0] : f32 from vector<1xf32>
      %mul3A_321 = arith.constant 32 : i32
      %mul3A_322 = arith.muli %add3A_318, %mul3A_321 : i32
      %get3A_323 = arith.index_cast %mul3A_322 : i32 to index
      %get3A_324 = tpu.vector_load %arg6[%get3A_323] {strides = array<i32>} : memref<24576xf32, #tpu.memory_space<vmem>>, vector<16xf32>,
      %get3A_325 = vector.shape_cast %get3A_324 : vector<16xf32> to vector<16xf32>
      %mul3A_326 = arith.constant 32 : i32
      %mul3A_327 = arith.muli %add3A_318, %mul3A_326 : i32
      %add3A_328 = arith.constant 16 : i32
      %add3A_329 = arith.addi %mul3A_327, %add3A_328 : i32
      %get3A_330 = arith.index_cast %add3A_329 : i32 to index
      %get3A_331 = tpu.vector_load %arg6[%get3A_330] {strides = array<i32>} : memref<24576xf32, #tpu.memory_space<vmem>>, vector<16xf32>,
      %get3A_332 = vector.shape_cast %get3A_331 : vector<16xf32> to vector<16xf32>
      %sub3A_333 = vector.broadcast %squeeze3A_320 : f32 to vector<16xf32>
      %sub3A_334 = arith.subf %get3A_325, %sub3A_333 : vector<16xf32>
      %abs3A_335 = math.absf %sub3A_334 : vector<16xf32>
      %add3A_336 = arith.addf %add3A_310, %abs3A_335 : vector<16xf32>
      %sub3A_337 = vector.broadcast %squeeze3A_320 : f32 to vector<16xf32>
      %sub3A_338 = arith.subf %get3A_332, %sub3A_337 : vector<16xf32>
      %abs3A_339 = math.absf %sub3A_338 : vector<16xf32>
      %add3A_340 = arith.addf %add3A_314, %abs3A_339 : vector<16xf32>
      %mul3A_341 = arith.constant 16 : i32
      %mul3A_342 = arith.muli %scan3A_52, %mul3A_341 : i32
      %add3A_343 = arith.constant 11 : i32
      %add3A_344 = arith.addi %mul3A_342, %add3A_343 : i32
      %slice3A_345 = vector.extract_strided_slice %get3A_58 {offsets = [11], sizes = [1], strides = [1]} : vector<16xf32> to vector<1xf32>
      %squeeze3A_346 = vector.extract %slice3A_345[0] : f32 from vector<1xf32>
      %mul3A_347 = arith.constant 32 : i32
      %mul3A_348 = arith.muli %add3A_344, %mul3A_347 : i32
      %get3A_349 = arith.index_cast %mul3A_348 : i32 to index
      %get3A_350 = tpu.vector_load %arg6[%get3A_349] {strides = array<i32>} : memref<24576xf32, #tpu.memory_space<vmem>>, vector<16xf32>,
      %get3A_351 = vector.shape_cast %get3A_350 : vector<16xf32> to vector<16xf32>
      %mul3A_352 = arith.constant 32 : i32
      %mul3A_353 = arith.muli %add3A_344, %mul3A_352 : i32
      %add3A_354 = arith.constant 16 : i32
      %add3A_355 = arith.addi %mul3A_353, %add3A_354 : i32
      %get3A_356 = arith.index_cast %add3A_355 : i32 to index
      %get3A_357 = tpu.vector_load %arg6[%get3A_356] {strides = array<i32>} : memref<24576xf32, #tpu.memory_space<vmem>>, vector<16xf32>,
      %get3A_358 = vector.shape_cast %get3A_357 : vector<16xf32> to vector<16xf32>
      %sub3A_359 = vector.broadcast %squeeze3A_346 : f32 to vector<16xf32>
      %sub3A_360 = arith.subf %get3A_351, %sub3A_359 : vector<16xf32>
      %abs3A_361 = math.absf %sub3A_360 : vector<16xf32>
      %add3A_362 = arith.addf %add3A_336, %abs3A_361 : vector<16xf32>
      %sub3A_363 = vector.broadcast %squeeze3A_346 : f32 to vector<16xf32>
      %sub3A_364 = arith.subf %get3A_358, %sub3A_363 : vector<16xf32>
      %abs3A_365 = math.absf %sub3A_364 : vector<16xf32>
      %add3A_366 = arith.addf %add3A_340, %abs3A_365 : vector<16xf32>
      %mul3A_367 = arith.constant 16 : i32
      %mul3A_368 = arith.muli %scan3A_52, %mul3A_367 : i32
      %add3A_369 = arith.constant 12 : i32
      %add3A_370 = arith.addi %mul3A_368, %add3A_369 : i32
      %slice3A_371 = vector.extract_strided_slice %get3A_58 {offsets = [12], sizes = [1], strides = [1]} : vector<16xf32> to vector<1xf32>
      %squeeze3A_372 = vector.extract %slice3A_371[0] : f32 from vector<1xf32>
      %mul3A_373 = arith.constant 32 : i32
      %mul3A_374 = arith.muli %add3A_370, %mul3A_373 : i32
      %get3A_375 = arith.index_cast %mul3A_374 : i32 to index
      %get3A_376 = tpu.vector_load %arg6[%get3A_375] {strides = array<i32>} : memref<24576xf32, #tpu.memory_space<vmem>>, vector<16xf32>,
      %get3A_377 = vector.shape_cast %get3A_376 : vector<16xf32> to vector<16xf32>
      %mul3A_378 = arith.constant 32 : i32
      %mul3A_379 = arith.muli %add3A_370, %mul3A_378 : i32
      %add3A_380 = arith.constant 16 : i32
      %add3A_381 = arith.addi %mul3A_379, %add3A_380 : i32
      %get3A_382 = arith.index_cast %add3A_381 : i32 to index
      %get3A_383 = tpu.vector_load %arg6[%get3A_382] {strides = array<i32>} : memref<24576xf32, #tpu.memory_space<vmem>>, vector<16xf32>,
      %get3A_384 = vector.shape_cast %get3A_383 : vector<16xf32> to vector<16xf32>
      %sub3A_385 = vector.broadcast %squeeze3A_372 : f32 to vector<16xf32>
      %sub3A_386 = arith.subf %get3A_377, %sub3A_385 : vector<16xf32>
      %abs3A_387 = math.absf %sub3A_386 : vector<16xf32>
      %add3A_388 = arith.addf %add3A_362, %abs3A_387 : vector<16xf32>
      %sub3A_389 = vector.broadcast %squeeze3A_372 : f32 to vector<16xf32>
      %sub3A_390 = arith.subf %get3A_384, %sub3A_389 : vector<16xf32>
      %abs3A_391 = math.absf %sub3A_390 : vector<16xf32>
      %add3A_392 = arith.addf %add3A_366, %abs3A_391 : vector<16xf32>
      %mul3A_393 = arith.constant 16 : i32
      %mul3A_394 = arith.muli %scan3A_52, %mul3A_393 : i32
      %add3A_395 = arith.constant 13 : i32
      %add3A_396 = arith.addi %mul3A_394, %add3A_395 : i32
      %slice3A_397 = vector.extract_strided_slice %get3A_58 {offsets = [13], sizes = [1], strides = [1]} : vector<16xf32> to vector<1xf32>
      %squeeze3A_398 = vector.extract %slice3A_397[0] : f32 from vector<1xf32>
      %mul3A_399 = arith.constant 32 : i32
      %mul3A_400 = arith.muli %add3A_396, %mul3A_399 : i32
      %get3A_401 = arith.index_cast %mul3A_400 : i32 to index
      %get3A_402 = tpu.vector_load %arg6[%get3A_401] {strides = array<i32>} : memref<24576xf32, #tpu.memory_space<vmem>>, vector<16xf32>,
      %get3A_403 = vector.shape_cast %get3A_402 : vector<16xf32> to vector<16xf32>
      %mul3A_404 = arith.constant 32 : i32
      %mul3A_405 = arith.muli %add3A_396, %mul3A_404 : i32
      %add3A_406 = arith.constant 16 : i32
      %add3A_407 = arith.addi %mul3A_405, %add3A_406 : i32
      %get3A_408 = arith.index_cast %add3A_407 : i32 to index
      %get3A_409 = tpu.vector_load %arg6[%get3A_408] {strides = array<i32>} : memref<24576xf32, #tpu.memory_space<vmem>>, vector<16xf32>,
      %get3A_410 = vector.shape_cast %get3A_409 : vector<16xf32> to vector<16xf32>
      %sub3A_411 = vector.broadcast %squeeze3A_398 : f32 to vector<16xf32>
      %sub3A_412 = arith.subf %get3A_403, %sub3A_411 : vector<16xf32>
      %abs3A_413 = math.absf %sub3A_412 : vector<16xf32>
      %add3A_414 = arith.addf %add3A_388, %abs3A_413 : vector<16xf32>
      %sub3A_415 = vector.broadcast %squeeze3A_398 : f32 to vector<16xf32>
      %sub3A_416 = arith.subf %get3A_410, %sub3A_415 : vector<16xf32>
      %abs3A_417 = math.absf %sub3A_416 : vector<16xf32>
      %add3A_418 = arith.addf %add3A_392, %abs3A_417 : vector<16xf32>
      %mul3A_419 = arith.constant 16 : i32
      %mul3A_420 = arith.muli %scan3A_52, %mul3A_419 : i32
      %add3A_421 = arith.constant 14 : i32
      %add3A_422 = arith.addi %mul3A_420, %add3A_421 : i32
      %slice3A_423 = vector.extract_strided_slice %get3A_58 {offsets = [14], sizes = [1], strides = [1]} : vector<16xf32> to vector<1xf32>
      %squeeze3A_424 = vector.extract %slice3A_423[0] : f32 from vector<1xf32>
      %mul3A_425 = arith.constant 32 : i32
      %mul3A_426 = arith.muli %add3A_422, %mul3A_425 : i32
      %get3A_427 = arith.index_cast %mul3A_426 : i32 to index
      %get3A_428 = tpu.vector_load %arg6[%get3A_427] {strides = array<i32>} : memref<24576xf32, #tpu.memory_space<vmem>>, vector<16xf32>,
      %get3A_429 = vector.shape_cast %get3A_428 : vector<16xf32> to vector<16xf32>
      %mul3A_430 = arith.constant 32 : i32
      %mul3A_431 = arith.muli %add3A_422, %mul3A_430 : i32
      %add3A_432 = arith.constant 16 : i32
      %add3A_433 = arith.addi %mul3A_431, %add3A_432 : i32
      %get3A_434 = arith.index_cast %add3A_433 : i32 to index
      %get3A_435 = tpu.vector_load %arg6[%get3A_434] {strides = array<i32>} : memref<24576xf32, #tpu.memory_space<vmem>>, vector<16xf32>,
      %get3A_436 = vector.shape_cast %get3A_435 : vector<16xf32> to vector<16xf32>
      %sub3A_437 = vector.broadcast %squeeze3A_424 : f32 to vector<16xf32>
      %sub3A_438 = arith.subf %get3A_429, %sub3A_437 : vector<16xf32>
      %abs3A_439 = math.absf %sub3A_438 : vector<16xf32>
      %add3A_440 = arith.addf %add3A_414, %abs3A_439 : vector<16xf32>
      %sub3A_441 = vector.broadcast %squeeze3A_424 : f32 to vector<16xf32>
      %sub3A_442 = arith.subf %get3A_436, %sub3A_441 : vector<16xf32>
      %abs3A_443 = math.absf %sub3A_442 : vector<16xf32>
      %add3A_444 = arith.addf %add3A_418, %abs3A_443 : vector<16xf32>
      %mul3A_445 = arith.constant 16 : i32
      %mul3A_446 = arith.muli %scan3A_52, %mul3A_445 : i32
      %add3A_447 = arith.constant 15 : i32
      %add3A_448 = arith.addi %mul3A_446, %add3A_447 : i32
      %slice3A_449 = vector.extract_strided_slice %get3A_58 {offsets = [15], sizes = [1], strides = [1]} : vector<16xf32> to vector<1xf32>
      %squeeze3A_450 = vector.extract %slice3A_449[0] : f32 from vector<1xf32>
      %mul3A_451 = arith.constant 32 : i32
      %mul3A_452 = arith.muli %add3A_448, %mul3A_451 : i32
      %get3A_453 = arith.index_cast %mul3A_452 : i32 to index
      %get3A_454 = tpu.vector_load %arg6[%get3A_453] {strides = array<i32>} : memref<24576xf32, #tpu.memory_space<vmem>>, vector<16xf32>,
      %get3A_455 = vector.shape_cast %get3A_454 : vector<16xf32> to vector<16xf32>
      %mul3A_456 = arith.constant 32 : i32
      %mul3A_457 = arith.muli %add3A_448, %mul3A_456 : i32
      %add3A_458 = arith.constant 16 : i32
      %add3A_459 = arith.addi %mul3A_457, %add3A_458 : i32
      %get3A_460 = arith.index_cast %add3A_459 : i32 to index
      %get3A_461 = tpu.vector_load %arg6[%get3A_460] {strides = array<i32>} : memref<24576xf32, #tpu.memory_space<vmem>>, vector<16xf32>,
      %get3A_462 = vector.shape_cast %get3A_461 : vector<16xf32> to vector<16xf32>
      %sub3A_463 = vector.broadcast %squeeze3A_450 : f32 to vector<16xf32>
      %sub3A_464 = arith.subf %get3A_455, %sub3A_463 : vector<16xf32>
      %abs3A_465 = math.absf %sub3A_464 : vector<16xf32>
      %add3A_466 = arith.addf %add3A_440, %abs3A_465 : vector<16xf32>
      %sub3A_467 = vector.broadcast %squeeze3A_450 : f32 to vector<16xf32>
      %sub3A_468 = arith.subf %get3A_462, %sub3A_467 : vector<16xf32>
      %abs3A_469 = math.absf %sub3A_468 : vector<16xf32>
      %add3A_470 = arith.addf %add3A_444, %abs3A_469 : vector<16xf32>
      scf.yield %add3A_466, %add3A_470 : vector<16xf32>, vector<16xf32>
    }
    %scan3A_8 = arith.constant 48 : i32
    %swap3A = arith.constant 0 : index
    %swap3A_9 = tpu.vector_load %arg7[%swap3A] {strides = array<i32>} : memref<48xf32, #tpu.memory_space<vmem>>, vector<16xf32>,
    %swap3A_10 = vector.shape_cast %swap3A_9 : vector<16xf32> to vector<16xf32>
    %swap3A_11 = vector.shape_cast %scan3A_7#0 : vector<16xf32> to vector<16xf32>
    tpu.vector_store %arg7[%swap3A], %swap3A_11 {strides = array<i32>} : memref<48xf32, #tpu.memory_space<vmem>>, vector<16xf32>,
    %swap3A_12 = arith.constant 16 : index
    %swap3A_13 = tpu.vector_load %arg7[%swap3A_12] {strides = array<i32>} : memref<48xf32, #tpu.memory_space<vmem>>, vector<16xf32>,
    %swap3A_14 = vector.shape_cast %swap3A_13 : vector<16xf32> to vector<16xf32>
    %swap3A_15 = vector.shape_cast %scan3A_7#1 : vector<16xf32> to vector<16xf32>
    tpu.vector_store %arg7[%swap3A_12], %swap3A_15 {strides = array<i32>} : memref<48xf32, #tpu.memory_space<vmem>>, vector<16xf32>,
    %broadcast_in_dim3A_16 = arith.constant 0x7F800000 : f32
    %broadcast_in_dim3A_17 = vector.broadcast %broadcast_in_dim3A_16 : f32 to vector<16xf32>
    %swap3A_18 = arith.constant 32 : index
    %swap3A_19 = tpu.vector_load %arg7[%swap3A_18] {strides = array<i32>} : memref<48xf32, #tpu.memory_space<vmem>>, vector<16xf32>,
    %swap3A_20 = vector.shape_cast %swap3A_19 : vector<16xf32> to vector<16xf32>
    %swap3A_21 = vector.shape_cast %broadcast_in_dim3A_17 : vector<16xf32> to vector<16xf32>
    tpu.vector_store %arg7[%swap3A_18], %swap3A_21 {strides = array<i32>} : memref<48xf32, #tpu.memory_space<vmem>>, vector<16xf32>,
    %scan3A_22 = arith.constant 0x7F800000 : f32
    %scan3A_23 = arith.constant 0x7F800000 : f32
    %scan3A_24 = arith.constant 0x7F800000 : f32
    %scan3A_25 = arith.constant 0 : i32
    %scan3A_26 = arith.constant 0 : i32
    %scan3A_27 = arith.constant 0 : i32
    %scan3A_28 = arith.constant 0 : i32
    %scan3A_29 = arith.constant 32 : i32
    %scan3A_30 = arith.addi %scan3A_28, %scan3A_29 : i32
    %scan3A_31 = arith.constant 1 : i32
    %scan3A_32:6 = scf.for %scan3A_52 = %scan3A_28 to %scan3A_30 step %scan3A_31 iter_args(%scan3A_53 = %scan3A_22, %scan3A_54 = %scan3A_23, %scan3A_55 = %scan3A_24, %scan3A_56 = %scan3A_25, %scan3A_57 = %scan3A_26, %scan3A_58 = %scan3A_27) -> (f32, f32, f32, i32, i32, i32)  : i32 {
      %get3A = arith.index_cast %scan3A_52 : i32 to index
      %get3A_59 = tpu.vector_load %arg7[%get3A] {strides = array<i32>} : memref<48xf32, #tpu.memory_space<vmem>>, vector<16xf32>,
      %get3A_60 = vector.shape_cast %get3A_59 : vector<16xf32> to vector<16xf32>
      %slice3A = vector.extract_strided_slice %get3A_60 {offsets = [0], sizes = [1], strides = [1]} : vector<16xf32> to vector<1xf32>
      %squeeze3A = vector.extract %slice3A[0] : f32 from vector<1xf32>
      %lt3A = arith.cmpf olt, %squeeze3A, %scan3A_53 : f32
      %lt3A_61 = arith.cmpf olt, %squeeze3A, %scan3A_54 : f32
      %lt3A_62 = arith.cmpf olt, %squeeze3A, %scan3A_55 : f32
      %select_n3A_63 = arith.select %lt3A, %squeeze3A, %scan3A_53 : f32
      %select_n3A_64 = arith.select %lt3A, %scan3A_52, %scan3A_56 : i32
      %select_n3A_65 = arith.select %lt3A_61, %squeeze3A, %scan3A_54 : f32
      %select_n3A_66 = arith.select %lt3A, %scan3A_53, %select_n3A_65 : f32
      %select_n3A_67 = arith.select %lt3A_61, %scan3A_52, %scan3A_57 : i32
      %select_n3A_68 = arith.select %lt3A, %scan3A_56, %select_n3A_67 : i32
      %select_n3A_69 = arith.select %lt3A_62, %squeeze3A, %scan3A_55 : f32
      %select_n3A_70 = arith.select %lt3A_61, %scan3A_54, %select_n3A_69 : f32
      %select_n3A_71 = arith.select %lt3A_62, %scan3A_52, %scan3A_58 : i32
      %select_n3A_72 = arith.select %lt3A_61, %scan3A_57, %select_n3A_71 : i32
      scf.yield %select_n3A_63, %select_n3A_66, %select_n3A_70, %select_n3A_64, %select_n3A_68, %select_n3A_72 : f32, f32, f32, i32, i32, i32
    }
    %scan3A_33 = arith.constant 32 : i32
    %iota3A = tpu.iota {dimensions = array<i32: 0>} : vector<16xi32>
    %eq3A = arith.constant 0 : i32
    %eq3A_34 = vector.broadcast %eq3A : i32 to vector<16xi32>
    %eq3A_35 = arith.cmpi eq, %iota3A, %eq3A_34 : vector<16xi32>
    %eq3A_36 = arith.constant 1 : i32
    %eq3A_37 = vector.broadcast %eq3A_36 : i32 to vector<16xi32>
    %eq3A_38 = arith.cmpi eq, %iota3A, %eq3A_37 : vector<16xi32>
    %eq3A_39 = arith.constant 2 : i32
    %eq3A_40 = vector.broadcast %eq3A_39 : i32 to vector<16xi32>
    %eq3A_41 = arith.cmpi eq, %iota3A, %eq3A_40 : vector<16xi32>
    %jit3A = arith.constant 0 : i32
    %broadcast_in_dim3A_42 = vector.broadcast %scan3A_32#5 : i32 to vector<16xi32>
    %broadcast_in_dim3A_43 = vector.broadcast %jit3A : i32 to vector<16xi32>
    %select_n3A = arith.select %eq3A_41, %broadcast_in_dim3A_42, %broadcast_in_dim3A_43 : vector<16xi1>, vector<16xi32>
    %broadcast_in_dim3A_44 = vector.broadcast %scan3A_32#4 : i32 to vector<16xi32>
    %select_n3A_45 = arith.select %eq3A_38, %broadcast_in_dim3A_44, %select_n3A : vector<16xi1>, vector<16xi32>
    %broadcast_in_dim3A_46 = vector.broadcast %scan3A_32#3 : i32 to vector<16xi32>
    %select_n3A_47 = arith.select %eq3A_35, %broadcast_in_dim3A_46, %select_n3A_45 : vector<16xi1>, vector<16xi32>
    %swap3A_48 = arith.constant 0 : index
    %swap3A_49 = tpu.vector_load %arg8[%swap3A_48] {strides = array<i32>} : memref<16xi32, #tpu.memory_space<vmem>>, vector<16xi32>,
    %swap3A_50 = vector.shape_cast %swap3A_49 : vector<16xi32> to vector<16xi32>
    %swap3A_51 = vector.shape_cast %select_n3A_47 : vector<16xi32> to vector<16xi32>
    tpu.vector_store %arg8[%swap3A_48], %swap3A_51 {strides = array<i32>} : memref<16xi32, #tpu.memory_space<vmem>>, vector<16xi32>,
    "tpu.region"() ({
      %run_scoped3A = tpu.sem_alloc : memref<!tpu.dma_semaphore, #tpu.memory_space<semaphore_mem>>
      %dma_start3A = arith.constant 0 : i32
      %dma_start3A_52 = tpu.memref_slice %arg4[%add3A, %dma_start3A] : memref<32x16xi32, #tpu.memory_space<hbm>> -> memref<1x16xi32, #tpu.memory_space<hbm>>
      %dma_start3A_53 = tpu.memref_squeeze %dma_start3A_52 : memref<1x16xi32, #tpu.memory_space<hbm>> -> memref<16xi32, #tpu.memory_space<hbm>>
      %dma_start3A_54 = arith.constant 0 : i32
      %dma_start3A_55 = tpu.memref_slice %arg4[%add3A, %dma_start3A_54] : memref<32x16xi32, #tpu.memory_space<hbm>> -> memref<1x16xi32, #tpu.memory_space<hbm>>
      %dma_start3A_56 = tpu.memref_squeeze %dma_start3A_55 : memref<1x16xi32, #tpu.memory_space<hbm>> -> memref<16xi32, #tpu.memory_space<hbm>>
      tpu.enqueue_dma source(%arg8 : memref<16xi32, #tpu.memory_space<vmem>>) target(%dma_start3A_56 : memref<16xi32, #tpu.memory_space<hbm>>) target_semaphore(%run_scoped3A : memref<!tpu.dma_semaphore, #tpu.memory_space<semaphore_mem>>)
      %dma_wait3A = arith.constant 0 : i32
      %dma_wait3A_57 = tpu.memref_slice %arg4[%add3A, %dma_wait3A] : memref<32x16xi32, #tpu.memory_space<hbm>> -> memref<1x16xi32, #tpu.memory_space<hbm>>
      %dma_wait3A_58 = tpu.memref_squeeze %dma_wait3A_57 : memref<1x16xi32, #tpu.memory_space<hbm>> -> memref<16xi32, #tpu.memory_space<hbm>>
      %dma_wait3A_59 = arith.constant 0 : i32
      %dma_wait3A_60 = tpu.memref_slice %arg4[%add3A, %dma_wait3A_59] : memref<32x16xi32, #tpu.memory_space<hbm>> -> memref<1x16xi32, #tpu.memory_space<hbm>>
      %dma_wait3A_61 = tpu.memref_squeeze %dma_wait3A_60 : memref<1x16xi32, #tpu.memory_space<hbm>> -> memref<16xi32, #tpu.memory_space<hbm>>
      tpu.wait_dma2 semaphore(%run_scoped3A : memref<!tpu.dma_semaphore, #tpu.memory_space<semaphore_mem>>) src(%arg8 : memref<16xi32, #tpu.memory_space<vmem>>) dst(%dma_wait3A_61 : memref<16xi32, #tpu.memory_space<hbm>>)
      tpu.yield
    }) : () -> ()
    return
  }
}

module attributes {stable_mosaic.version = 14 : i64} {
  func.func @_attn_kernel(%arg0: i32, %arg1: memref<32x16xi32, #tpu.memory_space<smem>>, %arg2: memref<32x256x768xf32, #tpu.memory_space<vmem>>, %arg3: memref<768x768xf32, #tpu.memory_space<vmem>>, %arg4: memref<1x255x768xf32, #tpu.memory_space<vmem>>) attributes {dimension_semantics = [#tpu.dimension_semantics<arbitrary>], iteration_bounds = array<i64: 32>, scalar_prefetch = 1 : i64, scratch_operands = 0 : i64, tpu.core_type = #tpu.core_type<tc>, window_params = [{pipeline_mode = #tpu.pipeline_mode<synchronous>, transform_indices = @transform_0, window_bounds = array<i64: 32, 256, 768>}, {pipeline_mode = #tpu.pipeline_mode<synchronous>, transform_indices = @transform_1, window_bounds = array<i64: 768, 768>}, {transform_indices = @transform_2, window_bounds = array<i64: 1, 255, 768>}]} {
    %get3A = arith.constant 0 : index
    %get3A_0 = arith.constant 0 : index
    %get3A_1 = vector.load %arg3[%get3A, %get3A_0] : memref<768x768xf32, #tpu.memory_space<vmem>>, vector<768x768xf32>
    %get3A_2 = arith.index_cast %arg0 : i32 to index
    %get3A_3 = arith.constant 0 : index
    %get3A_4 = memref.load %arg1[%get3A_2, %get3A_3] : memref<32x16xi32, #tpu.memory_space<smem>>
    %get3A_5 = arith.index_cast %get3A_4 : i32 to index
    %get3A_6 = arith.constant 0 : index
    %get3A_7 = arith.constant 0 : index
    %get3A_8 = vector.load %arg2[%get3A_5, %get3A_6, %get3A_7] : memref<32x256x768xf32, #tpu.memory_space<vmem>>, vector<1x256x768xf32>
    %get3A_9 = vector.shape_cast %get3A_8 : vector<1x256x768xf32> to vector<256x768xf32>
    %slice3A = vector.extract_strided_slice %get3A_1 {offsets = [0, 0], sizes = [256, 768], strides = [1, 1]} : vector<768x768xf32> to vector<256x768xf32>
    %add3A = arith.addf %get3A_9, %slice3A : vector<256x768xf32>
    %get3A_10 = arith.index_cast %arg0 : i32 to index
    %get3A_11 = arith.constant 1 : index
    %get3A_12 = memref.load %arg1[%get3A_10, %get3A_11] : memref<32x16xi32, #tpu.memory_space<smem>>
    %get3A_13 = arith.index_cast %get3A_12 : i32 to index
    %get3A_14 = arith.constant 0 : index
    %get3A_15 = arith.constant 0 : index
    %get3A_16 = vector.load %arg2[%get3A_13, %get3A_14, %get3A_15] : memref<32x256x768xf32, #tpu.memory_space<vmem>>, vector<1x256x768xf32>
    %get3A_17 = vector.shape_cast %get3A_16 : vector<1x256x768xf32> to vector<256x768xf32>
    %slice3A_18 = vector.extract_strided_slice %get3A_1 {offsets = [256, 0], sizes = [256, 768], strides = [1, 1]} : vector<768x768xf32> to vector<256x768xf32>
    %add3A_19 = arith.addf %get3A_17, %slice3A_18 : vector<256x768xf32>
    %get3A_20 = arith.index_cast %arg0 : i32 to index
    %get3A_21 = arith.constant 2 : index
    %get3A_22 = memref.load %arg1[%get3A_20, %get3A_21] : memref<32x16xi32, #tpu.memory_space<smem>>
    %get3A_23 = arith.index_cast %get3A_22 : i32 to index
    %get3A_24 = arith.constant 0 : index
    %get3A_25 = arith.constant 0 : index
    %get3A_26 = vector.load %arg2[%get3A_23, %get3A_24, %get3A_25] : memref<32x256x768xf32, #tpu.memory_space<vmem>>, vector<1x256x768xf32>
    %get3A_27 = vector.shape_cast %get3A_26 : vector<1x256x768xf32> to vector<256x768xf32>
    %slice3A_28 = vector.extract_strided_slice %get3A_1 {offsets = [512, 0], sizes = [256, 768], strides = [1, 1]} : vector<768x768xf32> to vector<256x768xf32>
    %add3A_29 = arith.addf %get3A_27, %slice3A_28 : vector<256x768xf32>
    %dot_general3A = arith.constant dense<0.000000e+00> : vector<256x256xf32>
    %dot_general3A_30 = tpu.matmul %add3A, %add3A, %dot_general3A {dimension_numbers = #tpu.dot_dimension_numbers<[1], [1], [0], [0], [0, 0, 1, 0], [], []>, transpose_lhs_hint = false} : vector<256x768xf32>, vector<256x768xf32>, vector<256x256xf32> -> vector<256x256xf32>
    %dot_general3A_31 = arith.constant dense<0.000000e+00> : vector<256x256xf32>
    %dot_general3A_32 = tpu.matmul %add3A, %add3A_19, %dot_general3A_31 {dimension_numbers = #tpu.dot_dimension_numbers<[1], [1], [0], [0], [0, 0, 1, 0], [], []>, transpose_lhs_hint = false} : vector<256x768xf32>, vector<256x768xf32>, vector<256x256xf32> -> vector<256x256xf32>
    %dot_general3A_33 = arith.constant dense<0.000000e+00> : vector<256x256xf32>
    %dot_general3A_34 = tpu.matmul %add3A, %add3A_29, %dot_general3A_33 {dimension_numbers = #tpu.dot_dimension_numbers<[1], [1], [0], [0], [0, 0, 1, 0], [], []>, transpose_lhs_hint = false} : vector<256x768xf32>, vector<256x768xf32>, vector<256x256xf32> -> vector<256x256xf32>
    %concatenate3A = tpu.concatenate %dot_general3A_30, %dot_general3A_32, %dot_general3A_34 in 1 : vector<256x256xf32>, vector<256x256xf32>, vector<256x256xf32> -> vector<256x768xf32>
    %mul3A = arith.constant 0.0360843912 : f32
    %mul3A_35 = vector.broadcast %mul3A : f32 to vector<256x768xf32>
    %mul3A_36 = arith.mulf %concatenate3A, %mul3A_35 : vector<256x768xf32>
    %reduce_max3A = arith.constant dense<0xFF800000> : vector<256xf32>
    %reduce_max3A_37 = vector.multi_reduction <maximumf>, %mul3A_36, %reduce_max3A [1] : vector<256x768xf32> to vector<256xf32>
    %broadcast_in_dim3A = vector.shape_cast %reduce_max3A_37 : vector<256xf32> to vector<256x1xf32>
    %sub3A = vector.broadcast %broadcast_in_dim3A : vector<256x1xf32> to vector<256x768xf32>
    %sub3A_38 = arith.subf %mul3A_36, %sub3A : vector<256x768xf32>
    %exp3A = math.exp %sub3A_38 : vector<256x768xf32>
    %reduce_sum3A = arith.constant dense<0.000000e+00> : vector<256xf32>
    %reduce_sum3A_39 = vector.multi_reduction <add>, %exp3A, %reduce_sum3A [1] : vector<256x768xf32> to vector<256xf32>
    %broadcast_in_dim3A_40 = vector.shape_cast %reduce_sum3A_39 : vector<256xf32> to vector<256x1xf32>
    %div3A = vector.broadcast %broadcast_in_dim3A_40 : vector<256x1xf32> to vector<256x768xf32>
    %div3A_41 = arith.divf %exp3A, %div3A : vector<256x768xf32>
    %slice3A_42 = vector.extract_strided_slice %div3A_41 {offsets = [0, 0], sizes = [256, 256], strides = [1, 1]} : vector<256x768xf32> to vector<256x256xf32>
    %dot_general3A_43 = arith.constant dense<0.000000e+00> : vector<256x768xf32>
    %dot_general3A_44 = tpu.matmul %slice3A_42, %add3A, %dot_general3A_43 {dimension_numbers = #tpu.dot_dimension_numbers<[1], [0], [0], [1], [0, 0, 1, 1], [], []>, transpose_lhs_hint = false} : vector<256x256xf32>, vector<256x768xf32>, vector<256x768xf32> -> vector<256x768xf32>
    %slice3A_45 = vector.extract_strided_slice %div3A_41 {offsets = [0, 256], sizes = [256, 256], strides = [1, 1]} : vector<256x768xf32> to vector<256x256xf32>
    %dot_general3A_46 = arith.constant dense<0.000000e+00> : vector<256x768xf32>
    %dot_general3A_47 = tpu.matmul %slice3A_45, %add3A_19, %dot_general3A_46 {dimension_numbers = #tpu.dot_dimension_numbers<[1], [0], [0], [1], [0, 0, 1, 1], [], []>, transpose_lhs_hint = false} : vector<256x256xf32>, vector<256x768xf32>, vector<256x768xf32> -> vector<256x768xf32>
    %add3A_48 = arith.addf %dot_general3A_44, %dot_general3A_47 : vector<256x768xf32>
    %slice3A_49 = vector.extract_strided_slice %div3A_41 {offsets = [0, 512], sizes = [256, 256], strides = [1, 1]} : vector<256x768xf32> to vector<256x256xf32>
    %dot_general3A_50 = arith.constant dense<0.000000e+00> : vector<256x768xf32>
    %dot_general3A_51 = tpu.matmul %slice3A_49, %add3A_29, %dot_general3A_50 {dimension_numbers = #tpu.dot_dimension_numbers<[1], [0], [0], [1], [0, 0, 1, 1], [], []>, transpose_lhs_hint = false} : vector<256x256xf32>, vector<256x768xf32>, vector<256x768xf32> -> vector<256x768xf32>
    %add3A_52 = arith.addf %add3A_48, %dot_general3A_51 : vector<256x768xf32>
    %slice3A_53 = vector.extract_strided_slice %add3A_52 {offsets = [0, 0], sizes = [255, 768], strides = [1, 1]} : vector<256x768xf32> to vector<255x768xf32>
    %swap3A = arith.constant 0 : index
    %swap3A_54 = arith.constant 0 : index
    %swap3A_55 = arith.constant 0 : index
    %swap3A_56 = vector.load %arg4[%swap3A, %swap3A_54, %swap3A_55] : memref<1x255x768xf32, #tpu.memory_space<vmem>>, vector<1x255x768xf32>
    %swap3A_57 = vector.shape_cast %swap3A_56 : vector<1x255x768xf32> to vector<255x768xf32>
    %swap3A_58 = vector.shape_cast %slice3A_53 : vector<255x768xf32> to vector<1x255x768xf32>
    tpu.vector_store %arg4[%swap3A, %swap3A_54, %swap3A_55], %swap3A_58 {strides = array<i32>} : memref<1x255x768xf32, #tpu.memory_space<vmem>>, vector<1x255x768xf32>,
    return
  }
  func.func @transform_0(%arg0: i32, %arg1: memref<32x16xi32, #tpu.memory_space<smem>>) -> (i32, i32, i32) {
    %c0_i32 = arith.constant 0 : i32
    %c0_i32_0 = arith.constant 0 : i32
    %c0_i32_1 = arith.constant 0 : i32
    %c0_i32_2 = arith.constant 0 : i32
    return %c0_i32, %c0_i32_0, %c0_i32_1 : i32, i32, i32
  }
  func.func @transform_1(%arg0: i32, %arg1: memref<32x16xi32, #tpu.memory_space<smem>>) -> (i32, i32) {
    %c0_i32 = arith.constant 0 : i32
    %c0_i32_0 = arith.constant 0 : i32
    %c0_i32_1 = arith.constant 0 : i32
    return %c0_i32, %c0_i32_0 : i32, i32
  }
  func.func @transform_2(%arg0: i32, %arg1: memref<32x16xi32, #tpu.memory_space<smem>>) -> (i32, i32, i32) {
    %c0_i32 = arith.constant 0 : i32
    %c0_i32_0 = arith.constant 0 : i32
    %c0_i32_1 = arith.constant 0 : i32
    return %arg0, %c0_i32, %c0_i32_0 : i32, i32, i32
  }
}

</mosaic_0001>

<sc_bundles>
// kernel: kernel.4.cloned.1.call-start
scs
__scs_entry_jumppad:
0x0: {  	(pc) =	sbr.rel $0x88, $3  }
0x1: {  	(tag) =	ssettag $0x0;
	lr =	simm.s32 $0x1  }
0x2: {  	[smem:$0x3FA0] =	sst lr;
	_ =	strace $0xD0000000  }
0x3: {  	_ = 	snop  }
0x4: {  	_ = 	snop  }
0x5: {  	_ = 	snop  }
0x6: {  	_ = 	snop  }
0x7: {  	_ = 	snop  }
__scs_overlays_trampoline_lowered:
0x8: {  	[smem:$0x3FAF] =	sst s0  }
0x9: {  	[smem:$0x3FB0] =	sst s1  }
0xa: {  	[smem:$0x3FB1] =	sst s2  }
0xb: {  	[smem:$0x3FB2] =	sst s3  }
0xc: {  	[smem:$0x3FB3] =	sst s4  }
0xd: {  	[smem:$0x3FB4] =	sst s5  }
0xe: {  	[smem:$0x3FB5] =	sst s6  }
0xf: {  	[smem:$0x3FB6] =	sst s7  }
0x10: {  	[smem:$0x3FB7] =	sst s8  }
0x11: {  	[smem:$0x3FB8] =	sst s9;
	s0 =	simm.s32 @!p0 $0x0  }
0x12: {  	s1 =	sld [smem:$0x3F9E];
	s0 =	simm.s32 @p0 $0x1  }
0x13: {  	[smem:$0x3FB9] =	sst s0;
	s0 =	simm.s32 @!p1 $0x0  }
0x14: {  	s2 =	sld [smem:$0x3F9D];
	s0 =	simm.s32 @p1 $0x1  }
0x15: {  	[smem:$0x3FBA] =	sst s0;
	s0 =	simm.s32 @!p2 $0x0  }
0x16: {  	s3 =	sld [smem:$0x3FDB];
	s0 =	simm.s32 @p2 $0x1  }
0x17: {  	s4 =	simm.s32 $0x1BF5;
	[smem:$0x3FBC] =	sst s0  }
0x18: {  	s0 =	sld [smem:$0x3F9F];
	_ =	swait.ge [sflag:s4], $0x0  }
0x19: {  	s7 =	sld [smem:$0x3FA0]  }
0x1a: {  	s8 =	sadd.s32 $0xFFFFE003, lr  }
0x1b: {  	s9 =	sadd.s32 $0xFFFFFEF7, lr;
	s5 =	simm.s32 $0xFFFFFFFF;
	p2 =	slt.u32 s8, $0xFFFFF086  }
0x1c: {  	p1 =	slt.u32 s9, $0xF7A;
	s5 =	simm.s32 @!p2 $0x0  }
0x1d: {  	s5 =	simm.s32 @p1 $0x1;
	p0 =	seq.s32 s7, s2  }
0x1e: {  	s7 =	smul.u32 @!p0 $0xF7A, s2;
	p2 =	seq.s32 @!p0 s5, $0x0  }
0x1f: {  	s9 =	smul.u32 $0xF7A, s1;
	s8 =	simm.s32 @!p0 $0x1BF5;
	p2 =	por !p2, p0  }
0x20: {  	[sflag:s8] =	ssyncset.s32 @!p0 $0xFFFFF086;
	s6 =	sadd.s32 @!p0 s3, s7;
	s7 =	simm.s32 @!p0 $0x108  }
0x21: {  	s3 =	sadd.s32 s3, s9;
	s6 =	sadd.s32 @!p0 $0x88, s6;
	s7 =	simm.s32 @p2 $0x1082  }
0x22: {  	[simem:s7], [sflag:s8] =	dma.local @!p0 [hbm:s6], $0xF7A  }
0x23: {  	s9 =	sor.u32 $0xD0000000, s2;
	s6 =	simm.s32 $0x108;
	_ =	swait.ge @!p0 [sflag:s8], $0x0  }
0x24: {  	s3 =	sadd.s32 $0x88, s3;
	s6 =	simm.s32 @!p1 $0x1082;
	[sflag:s4] =	ssyncset.s32 $0xFFFFF086  }
0x25: {  	[simem:s6], [sflag:s4] =	dma.local [hbm:s3], $0xF7A  }
0x26: {  	[smem:$0x3FA0] =	sst s1;
	(tag) =	ssettag s2;
	_ =	strace s9  }
0x27: {  	s1 =	sld [smem:$0x3FB0]  }
0x28: {  	s2 =	sld [smem:$0x3FB1]  }
0x29: {  	s4 =	sld [smem:$0x3FB3]  }
0x2a: {  	p0 =	seq.s32 s5, $0x0;
	s5 =	sld [smem:$0x3FB4]  }
0x2b: {  	s6 =	sld [smem:$0x3FB5]  }
0x2c: {  	s7 =	sld [smem:$0x3FB6]  }
0x2d: {  	s3 =	simm.s32 $0x108;
	s8 =	sld [smem:$0x3FB7]  }
0x2e: {  	s3 =	simm.s32 @!p0 $0x1082;
	s9 =	sld [smem:$0x3FB8]  }
0x2f: {  	lr =	sadd.s32 s0, s3;
	s0 =	sld [smem:$0x3FAF]  }
0x30: {  	s3 =	sld [smem:$0x3FB2]  }
0x31: {  	[smem:$0x3FBB] =	sst s10  }
0x32: {  	s10 =	sld [smem:$0x3FB9];
	_ =	sdelay $0x3  }
0x33: {  	p0 =	seq.s32 s10, $0x1;
	s10 =	sld [smem:$0x3FBB];
	_ =	sdelay $0x3  }
0x34: {  	[smem:$0x3FBB] =	sst s10  }
0x35: {  	s10 =	sld [smem:$0x3FBA];
	_ =	sdelay $0x3  }
0x36: {  	p1 =	seq.s32 s10, $0x1;
	s10 =	sld [smem:$0x3FBB];
	_ =	sdelay $0x3  }
0x37: {  	[smem:$0x3FBB] =	sst s10  }
0x38: {  	s10 =	sld [smem:$0x3FBC]  }
0x39: {  	_ = 	snop;
	(pc) =	sbr.ind lr, $3  }
0x3a: {  	_ = 	snop  }
0x3b: {  	_ = 	snop  }
0x3c: {  	p2 =	seq.s32 s10, $0x1;
	s10 =	sld [smem:$0x3FBB]  }
0x3d: {  	_ =	shalt  }
0x3e: {  	_ =	shalt  }
0x3f: {  	_ =	shalt  }
0x40: {  	_ =	shalt  }
0x41: {  	_ =	shalt  }
0x42: {  	_ =	shalt  }
0x43: {  	_ =	shalt  }
0x44: {  	_ =	shalt  }
0x45: {  	_ =	shalt  }
0x46: {  	_ =	shalt  }
0x47: {  	_ =	shalt  }
0x48: {  	_ =	shalt  }
0x49: {  	_ =	shalt  }
0x4a: {  	_ =	shalt  }
0x4b: {  	_ =	shalt  }
0x4c: {  	_ =	shalt  }
0x4d: {  	_ =	shalt  }
0x4e: {  	_ =	shalt  }
0x4f: {  	_ =	shalt  }
0x50: {  	_ =	shalt  }
0x51: {  	_ =	shalt  }
0x52: {  	_ =	shalt  }
0x53: {  	_ =	shalt  }
0x54: {  	_ =	shalt  }
0x55: {  	_ =	shalt  }
0x56: {  	_ =	shalt  }
0x57: {  	_ =	shalt  }
0x58: {  	_ =	shalt  }
0x59: {  	_ =	shalt  }
0x5a: {  	_ =	shalt  }
0x5b: {  	_ =	shalt  }
0x5c: {  	_ =	shalt  }
0x5d: {  	_ =	shalt  }
0x5e: {  	_ =	shalt  }
0x5f: {  	_ =	shalt  }
0x60: {  	_ =	shalt  }
0x61: {  	_ =	shalt  }
0x62: {  	_ =	shalt  }
0x63: {  	_ =	shalt  }
0x64: {  	_ =	shalt  }
0x65: {  	_ =	shalt  }
0x66: {  	_ =	shalt  }
0x67: {  	_ =	shalt  }
0x68: {  	_ =	shalt  }
0x69: {  	_ =	shalt  }
0x6a: {  	_ =	shalt  }
0x6b: {  	_ =	shalt  }
0x6c: {  	_ =	shalt  }
0x6d: {  	_ =	shalt  }
0x6e: {  	_ =	shalt  }
0x6f: {  	_ =	shalt  }
0x70: {  	_ =	shalt  }
0x71: {  	_ =	shalt  }
0x72: {  	_ =	shalt  }
0x73: {  	_ =	shalt  }
0x74: {  	_ =	shalt  }
0x75: {  	_ =	shalt  }
0x76: {  	_ =	shalt  }
0x77: {  	_ =	shalt  }
0x78: {  	_ =	shalt  }
0x79: {  	_ =	shalt  }
0x7a: {  	_ =	shalt  }
0x7b: {  	_ =	shalt  }
0x7c: {  	_ =	shalt  }
0x7d: {  	_ =	shalt  }
0x7e: {  	_ =	shalt  }
0x7f: {  	_ =	shalt  }
0x80: {  	_ =	shalt  }
0x81: {  	_ =	shalt  }
0x82: {  	_ =	shalt  }
0x83: {  	_ =	shalt  }
0x84: {  	_ =	shalt  }
0x85: {  	_ =	shalt  }
0x86: {  	_ =	shalt  }
0x87: {  	_ =	shalt  }
.Lfunc_end0:
.L_simem_size_0:
called_computation_lowered:
.L_overlay_start_0:
0x88: {  	s2 =	sld [smem:$0x3FD9]  }
0x89: {  	s3 =	sld [smem:$0x3FFE];
	_ =	sdelay $0x1  }
0x8a: {  	s1 =	srdreg.scid  }
0x8b: {  	s0 =	sand.u32 $0x1, s1  }
0x8c: {  	s17 =	sshll.u32 s0, $0xA;
	s2 =	sadd.s32 s3, s2  }
0x8d: {  	s2 =	sadd.s32 s2, s17  }
0x8e: {  	[smem:$0x3FC7] =	sst s2  }
0x8f: {  	_ = 	snop  }
0x90: {  	s2 =	sld [smem:$0x3FD0];
	(tm) =	ssettm $0x1  }
0x91: {  	s18 =	sld [smem:$0x3FFB];
	_ =	sdelay $0x3  }
0x92: {  	_ =	strace s18  }
0x93: {  	s3 =	sld [smem:$0x3FFC];
	_ =	sdelay $0x3  }
0x94: {  	_ =	strace s3  }
0x95: {  	s3 =	sld [smem:$0x3FFD];
	_ =	sdelay $0x3  }
0x96: {  	_ =	strace s3  }
0x97: {  	_ =	strace $0x8FFFFFFF  }
0x98: {  	s19 =	sld [smem:$0x3FDB];
	_ =	sdelay $0x1  }
0x99: {  	s4 =	simm.s32 $_scs_section_size  }
0x9a: {  	s5 =	simm.s32 $_size__tile_overlayer_lowered;
	s6 =	simm.s32 $_tile_overlayer_lowered  }
0x9b: {  	s22 =	simm.s32 $0x1BFF;
	s21 =	sshll.u32 s6, $0x1;
	s3 =	sadd.s32 s4, s19  }
0x9c: {  	s7 =	simm.s32 $0x0;
	s20 =	sshll.u32 s5, $0x1;
	s5 =	sadd.s32 s21, s3  }
0x9d: {  	[timem:s7], [sflag:s22] =	dma.local [hbm:s5], s20  }
0x9e: {  	_ =	swait.ge [sflag:s22], s20  }
0x9f: {  	s4 =	ssub.s32 $0x0, s20;
	[sflag:s22] =	ssyncset.done $0x0  }
0xa0: {  	[sflag:s22] =	ssyncadd.s32 s4;
	_ =	sdelay $0x1  }
0xa1: {  	s23 =	simm.s32 $0x1B8B  }
0xa2: {  	_ =	swait.ge [sflag:s23], $0x1  }
0xa3: {  	[sflag:s23] =	ssyncset.done $0x0  }
0xa4: {  	s25 =	simm.s32 $0x1B8E;
	s24 =	sld [smem:$0x3FFE];
	[sflag:s23] =	ssyncadd.s32 $0xFFFFFFFF  }
0xa5: {  	s26 =	simm.s32 $execute0_lowered;
	[smem:$0x3FD2] =	sst s25  }
0xa6: {  	s5 =	sshll.u32 s26, $0x1;
	_ =	strace $0x80000046;
	[dreg:$0x1] =	wrdreg $0xFFFFFFFF  }
0xa7: {  	s28 =	simm.s32 $_size_execute0_lowered;
	s3 =	sadd.s32 s3, s5;
	[dreg:$0x0] =	wrdreg $0x0  }
0xa8: {  	s5 =	sshll.u32 s28, $0x1;
	[dreg:$0x2] =	wrdreg s3  }
0xa9: {  	[dreg:$0x3] =	wrdreg s5  }
0xaa: {  	[dreg:$0x4] =	wrdreg $0xC0  }
0xab: {  	_ =	task [dreg:s7], $0x5FFFF  }
0xac: {  	[dreg:$0x1] =	wrdreg $0xFFFFFFFF  }
0xad: {  	[dreg:$0x0] =	wrdreg $0x60  }
0xae: {  	[dreg:$0x2] =	wrdreg s2  }
0xaf: {  	[dreg:$0x3] =	wrdreg s24  }
0xb0: {  	[dreg:$0x4] =	wrdreg $0x9  }
0xb1: {  	_ =	task.clear_ibuf [dreg:s7], $0x5FFFF;
	_ =	strace $0x90000046  }
0xb2: {  	s29 =	simm.s32 $0x9;
	_ =	strace $0x80000048  }
0xb3: {  	_ =	swait.ge [sflag:s29], $0x1  }
0xb4: {  	[sflag:s29] =	ssyncadd.s32 $0xFFFFFFFF  }
0xb5: {  	_ =	strace $0x90000048  }
0xb6: {  	_ =	sfence  }
0xb7: {  	s30 =	sld [smem:$0x0];
	_ =	sdelay $0x2  }
0xb8: {  	s31 =	sshll.u32 s1, $0xD;
	s1 =	sshrl.u32 s1, $0x2  }
0xb9: {  	s3 =	sand.u32 $0x4000, s31;
	s1 =	sadd.s32 s1, s30  }
0xba: {  	s0 =	sor.u32 s3, s0;
	s1 =	sshll.u32 s1, $0x11  }
0xbb: {  	s0 =	sor.u32 s1, s0  }
0xbc: {  	s0 =	sadd.s32 $0x8F2B, s0  }
0xbd: {  	[sflag:s0] =	ssyncadd.remote.s32 $0x1  }
0xbe: {  	_ =	sfence.sel $0xFFFF  }
0xbf: {  	[dreg:$0x0] =	wrdreg $0xFFFFFFFF;
	(pc) =	sbr.abs _section_cstart, $3  }
0xc0: {  	[dreg:$0x1] =	wrdreg $0xFFFFFFFF  }
0xc1: {  	_ =	task.clear_ibuf [dreg:s7], $0x2FFFF;
	_ =	strace $0x9FFFFFFF  }
0xc2: {  	(tm) =	ssettm $0x7FFFFFFF  }
0xc3: {  	_ =	shalt  }
tec
execute0_lowered:
.L_overlay_start_1:
0x0: {  	(tag) =	ssettag $0x1  }
0x1: {  	s4 =	rddreg [dreg:$0x0]  }
0x2: {  	s5 =	rddreg [dreg:$0x1]  }
0x3: {  	s0 =	rddreg [dreg:$0x2];
	s3 =	srdreg.scid  }
0x4: {  	s1 =	stileid.u32;
	s2 =	simm.s32 $0x0;
	s10 =	simm.s32 $0x0  }
0x5: {  	s3 =	sand.u32 $0x1, s3;
	s6 =	sshll.u32 s1, $0x1;
	[smem:$0x7FF] =	sst s2  }
0x6: {  	s6 =	sor.u32 s3, s6;
	_ =	strace $0x80000047;
	s7 =	ssub.s32 $0x2, s3  }
0x7: {  	s8 =	smul.u32 $0x60, s6;
	s6 =	sshll.u32 s6, $0x4;
	s9 =	sshrl.u32 s7, $0x1  }
0x8: {  	s3 =	sadd.s32 $0xA00, s5;
	s5 =	sadd.s32 s6, s5;
	s31 =	ssub.s32 s7, s9  }
0x9: {  	v0 =	vimm.f32 $+Inf;
	s7 =	simm.s32 $0x1;
	s9 =	simm.s32 $0x6380;
	s4 =	sadd.s32 s4, s8  }
0xa: {  	vm0 =	vcmask $0x300;
	vm1 =	vcmask $0x704;
	vm2 =	vcmask $0xB08;
	s5 =	sadd.s32 $0x1600, s5;
	s6 =	smax.u32 s31, $0x1;
	s8 =	simm.s32 $0x300  }
.LBB2_1:
0xb: {  	[tilespmem:s2], [sflag:$0x1] =	stream.linear.gather [hbm4b:s4+s2], $0x300, $0x38;
	[tilespmem:$0x6400] =	vst v63  }
0xc: {  	_ =	swait.ge [sflag:s7], $0x300  }
0xd: {  	[sflag:s7] =	ssyncset.done $0x0  }
0xe: {  	[sflag:s7] =	ssyncadd.s32 $0xFFFFFD00  }
0xf: {  	[tilespmem:s8], [sflag:$0x1] =	stream.linear.gather [hbm4b:s3+s2], $0x6000, $0x38;
	[tilespmem:$0x6400] =	vst v63  }
0x10: {  	_ =	swait.ge [sflag:s7], $0x6000  }
0x11: {  	[sflag:s7] =	ssyncset.done $0x0  }
0x12: {  	s11 =	simm.s32 $0x0;
	[sflag:s7] =	ssyncadd.s32 $0xFFFFA000  }
0x13: {  	s12 =	simm.s32 $0x400;
	v12 =	vld [tilespmem:s11+$0x0]  }
0x14: {  	v1 =	vld [tilespmem:s12+$0xFFFFFF10]  }
0x15: {  	v2 =	vld [tilespmem:s12+$0xFFFFFF00]  }
0x16: {  	v3 =	vld [tilespmem:s12+$0x40]  }
0x17: {  	v4 =	vld [tilespmem:s12+$0xFFFFFF30]  }
0x18: {  	v6 =	vld [tilespmem:s12+$0xFFFFFF40]  }
0x19: {  	v7 =	vld [tilespmem:s12+$0xFFFFFF20];
	v5 =	vbroadcast v12, $0x0  }
0x1a: {  	v9 =	vld [tilespmem:s12+$0xFFFFFF50];
	v8 =	vbroadcast v12, $0x7;
	v10 =	vbroadcast v12, $0xA  }
0x1b: {  	v16 =	vld [tilespmem:s12+$0xFFFFFF70];
	v11 =	vbroadcast v12, $0xB;
	v14 =	vbroadcast v12, $0x1  }
0x1c: {  	v13 =	vimm.f32 $0.0e+00;
	v17 =	vld [tilespmem:s12+$0xFFFFFF60];
	v15 =	vbroadcast v12, $0x2;
	v19 =	vbroadcast v12, $0x4  }
0x1d: {  	v20 =	vbroadcast v12, $0x3;
	v24 =	vbroadcast v12, $0x6;
	v2 =	vsub.f32 v2, v5  }
0x1e: {  	v18 =	vld [tilespmem:s12+$0xFFFFFF90];
	v60 =	vbroadcast v12, $0x9;
	v3 =	vsub.f32 v3, v10;
	v5 =	vsub.f32 v1, v5  }
0x1f: {  	v21 =	vld [tilespmem:s12+$0xFFFFFF80];
	v61 =	vbroadcast v12, $0xD;
	v4 =	vsub.f32 v4, v14;
	v6 =	vsub.f32 v6, v15  }
0x20: {  	v1 =	vbroadcast v12, $0xC;
	v7 =	vsub.f32 v7, v14;
	v14 =	vld [tilespmem:s12+$0xFFFFFFA0];
	v9 =	vsub.f32 v9, v15  }
0x21: {  	v22 =	vld [tilespmem:s12+$0xFFFFFFD0];
	v16 =	vsub.f32 v16, v20;
	v17 =	vsub.f32 v17, v20;
	v5 =	vand.u32 $0x7FFFFFFF, v5  }
0x22: {  	v15 =	vld [tilespmem:s12+$0xFFFFFFB0];
	v20 =	vbroadcast v12, $0x5;
	v2 =	vand.u32 $0x7FFFFFFF, v2;
	v5 =	vadd.f32 v5, v13  }
0x23: {  	v23 =	vld [tilespmem:s12+$0xFFFFFFE0];
	v18 =	vsub.f32 v18, v19;
	v4 =	vand.u32 $0x7FFFFFFF, v4;
	v2 =	vadd.f32 v2, v13  }
0x24: {  	v62 =	vld [tilespmem:s12+$0xC0];
	v19 =	vsub.f32 v21, v19;
	v7 =	vand.u32 $0x7FFFFFFF, v7;
	v4 =	vadd.f32 v4, v5  }
0x25: {  	v13 =	vsub.f32 v14, v20;
	v14 =	vld [tilespmem:s12+$0xFFFFFFC0];
	v5 =	vand.u32 $0x7FFFFFFF, v9;
	v2 =	vadd.f32 v7, v2  }
0x26: {  	v6 =	vand.u32 $0x7FFFFFFF, v6;
	v9 =	vand.u32 $0x7FFFFFFF, v17;
	v17 =	vld [tilespmem:s12+$0xFFFFFFF0];
	v4 =	vadd.f32 v5, v4  }
0x27: {  	v16 =	vand.u32 $0x7FFFFFFF, v16;
	v15 =	vsub.f32 v15, v20;
	v5 =	vld [tilespmem:s12+$0x10];
	v2 =	vadd.f32 v6, v2  }
0x28: {  	v7 =	vand.u32 $0x7FFFFFFF, v18;
	v18 =	vsub.f32 v22, v24;
	v6 =	vld [tilespmem:s12+$0x30];
	v4 =	vadd.f32 v16, v4  }
0x29: {  	v19 =	vand.u32 $0x7FFFFFFF, v19;
	v20 =	vsub.f32 v23, v8;
	v16 =	vld [tilespmem:s12+$0x0];
	v2 =	vadd.f32 v9, v2  }
0x2a: {  	v15 =	vand.u32 $0x7FFFFFFF, v15;
	v9 =	vld [tilespmem:s12+$0x60];
	v14 =	vsub.f32 v14, v24;
	v4 =	vadd.f32 v7, v4  }
0x2b: {  	v8 =	vsub.f32 v17, v8;
	v17 =	vand.u32 $0x7FFFFFFF, v18;
	v18 =	vbroadcast v12, $0x8;
	v7 =	vld [tilespmem:s12+$0x20]  }
0x2c: {  	v13 =	vand.u32 $0x7FFFFFFF, v13;
	v2 =	vadd.f32 v19, v2;
	v19 =	vld [tilespmem:s12+$0x90];
	v4 =	vadd.f32 v15, v4  }
0x2d: {  	v20 =	vand.u32 $0x7FFFFFFF, v20;
	v14 =	vand.u32 $0x7FFFFFFF, v14;
	v5 =	vsub.f32 v5, v18;
	v15 =	vld [tilespmem:s12+$0x50]  }
0x2e: {  	v8 =	vand.u32 $0x7FFFFFFF, v8;
	v6 =	vsub.f32 v6, v60;
	v4 =	vadd.f32 v17, v4;
	v17 =	vld [tilespmem:s12+$0x70]  }
0x2f: {  	v2 =	vadd.f32 v13, v2;
	v13 =	vld [tilespmem:s12+$0xA0];
	v16 =	vsub.f32 v16, v18;
	v18 =	vand.u32 $0x7FFFFFFF, v5  }
0x30: {  	v63 =	vld [tilespmem:s12+$0xB0];
	v5 =	vand.u32 $0x7FFFFFFF, v3;
	v3 =	vsub.f32 v9, v11;
	v9 =	vadd.f32 v8, v4  }
0x31: {  	v25 =	vand.u32 $0x7FFFFFFF, v6;
	v2 =	vadd.f32 v14, v2;
	v21 =	vsub.f32 v7, v60;
	v4 =	vld [tilespmem:s12+$0xE0]  }
0x32: {  	v16 =	vand.u32 $0x7FFFFFFF, v16;
	v6 =	vsub.f32 v19, v1;
	v18 =	vadd.f32 v18, v9;
	v9 =	vld [tilespmem:s12+$0xF0]  }
0x33: {  	v7 =	vand.u32 $0x7FFFFFFF, v3;
	v2 =	vadd.f32 v20, v2;
	v3 =	vsub.f32 v17, v11;
	v11 =	vld [tilespmem:s12+$0xD0]  }
0x34: {  	v8 =	vsub.f32 v15, v10;
	v10 =	vbroadcast v12, $0xE;
	v14 =	vsub.f32 v13, v61  }
0x35: {  	v12 =	vbroadcast v12, $0xF;
	v2 =	vadd.f32 v16, v2;
	v16 =	vsub.f32 v63, v61;
	v17 =	vld [tilespmem:s12+$0x80]  }
0x36: {  	s11 =	simm.s32 $0x40;
	v15 =	vand.u32 $0x7FFFFFFF, v21;
	s12 =	simm.s32 $0x600;
	v13 =	vadd.f32 v25, v18;
	v18 =	vsub.f32 v62, v10  }
.LBB2_2:
0x37: {  	s13 =	sshra.s32 s11, $0x2;
	v19 =	vld [tilespmem:s12+$0xFFFFFF50];
	p0 =	sne.s32 s11, $0xBC0;
	s11 =	sadd.s32 $0x40, s11;
	v15 =	vadd.f32 v15, v2;
	v14 =	vand.u32 $0x7FFFFFFF, v14;
	v9 =	vsub.f32 v9, v12  }
0x38: {  	v4 =	vsub.f32 v4, v12;
	v2 =	vld [tilespmem:s13+$0x0];
	v18 =	vand.u32 $0x7FFFFFFF, v18;
	v10 =	vsub.f32 v11, v10  }
0x39: {  	v12 =	vand.u32 $0x7FFFFFFF, v16;
	v11 =	vld [tilespmem:s12+$0xFFFFFF10];
	v5 =	vadd.f32 v5, v15;
	v9 =	vand.u32 $0x7FFFFFFF, v9  }
0x3a: {  	v8 =	vand.u32 $0x7FFFFFFF, v8;
	v15 =	vld [tilespmem:s12+$0xFFFFFF00];
	v1 =	vsub.f32 v17, v1;
	v10 =	vand.u32 $0x7FFFFFFF, v10  }
0x3b: {  	v8 =	vadd.f32 v8, v13;
	v4 =	vand.u32 $0x7FFFFFFF, v4;
	v16 =	vld [tilespmem:s12+$0x40];
	v5 =	vadd.f32 v7, v5  }
0x3c: {  	v6 =	vand.u32 $0x7FFFFFFF, v6;
	v13 =	vand.u32 $0x7FFFFFFF, v3;
	v7 =	vld [tilespmem:s12+$0xFFFFFF20];
	v1 =	vand.u32 $0x7FFFFFFF, v1  }
0x3d: {  	v17 =	vbroadcast v2, $0x0;
	v20 =	vld [tilespmem:s12+$0xFFFFFF30];
	v21 =	vbroadcast v2, $0x7;
	v1 =	vadd.f32 v1, v5  }
0x3e: {  	v8 =	vadd.f32 v13, v8;
	v22 =	vbroadcast v2, $0xA;
	v3 =	vbroadcast v2, $0xB;
	v5 =	vld [tilespmem:s12+$0xFFFFFF40]  }
0x3f: {  	v13 =	vsub.f32 v15, v17;
	v15 =	vbroadcast v2, $0x1;
	v14 =	vadd.f32 v14, v1  }
0x40: {  	v6 =	vadd.f32 v6, v8;
	v23 =	vbroadcast v2, $0x2;
	v24 =	vld [tilespmem:s12+$0xFFFFFF70];
	v16 =	vsub.f32 v16, v22  }
0x41: {  	v11 =	vsub.f32 v11, v17;
	v1 =	vbroadcast v2, $0xC;
	v8 =	vand.u32 $0x7FFFFFFF, v13;
	v13 =	vld [tilespmem:s12+$0xFFFFFF60]  }
0x42: {  	v6 =	vadd.f32 v12, v6;
	v17 =	vsub.f32 v20, v15;
	v20 =	vbroadcast v2, $0x4  }
0x43: {  	v12 =	vbroadcast v2, $0x3;
	v14 =	vadd.f32 v18, v14;
	v5 =	vsub.f32 v5, v23;
	v25 =	vld [tilespmem:s12+$0xFFFFFF90]  }
0x44: {  	v6 =	vadd.f32 v10, v6;
	v7 =	vsub.f32 v7, v15;
	v15 =	vand.u32 $0x7FFFFFFF, v17;
	v17 =	vld [tilespmem:s12+$0xFFFFFFA0]  }
0x45: {  	v10 =	vand.u32 $0x7FFFFFFF, v11;
	v11 =	vsub.f32 v19, v23;
	v5 =	vand.u32 $0x7FFFFFFF, v5;
	v18 =	vld [tilespmem:s12+$0xFFFFFFB0]  }
0x46: {  	v6 =	vadd.f32 v9, v6;
	v7 =	vand.u32 $0x7FFFFFFF, v7;
	v19 =	vsub.f32 v24, v12;
	v23 =	vld [tilespmem:s12+$0xFFFFFF80]  }
0x47: {  	v4 =	vadd.f32 v4, v14;
	v9 =	vsub.f32 v13, v12;
	v12 =	vbroadcast v2, $0x5;
	v13 =	vld [tilespmem:s12+$0xFFFFFFD0]  }
0x48: {  	v6 =	vadd.f32 v10, v6;
	v10 =	vand.u32 $0x7FFFFFFF, v19;
	v14 =	vsub.f32 v25, v20;
	v19 =	vld [tilespmem:s12+$0xFFFFFFE0]  }
0x49: {  	v4 =	vadd.f32 v8, v4;
	v24 =	vbroadcast v2, $0x6;
	v8 =	vsub.f32 v17, v12;
	v17 =	vld [tilespmem:s12+$0xFFFFFFC0]  }
0x4a: {  	v11 =	vand.u32 $0x7FFFFFFF, v11;
	v6 =	vadd.f32 v15, v6;
	v9 =	vand.u32 $0x7FFFFFFF, v9;
	v15 =	vld [tilespmem:s12+$0xFFFFFFF0]  }
0x4b: {  	v12 =	vsub.f32 v18, v12;
	v20 =	vsub.f32 v23, v20;
	v8 =	vand.u32 $0x7FFFFFFF, v8  }
0x4c: {  	v7 =	vadd.f32 v7, v4;
	v14 =	vand.u32 $0x7FFFFFFF, v14;
	v13 =	vsub.f32 v13, v24;
	v4 =	vld [tilespmem:s12+$0xE0]  }
0x4d: {  	v6 =	vadd.f32 v11, v6;
	v11 =	vand.u32 $0x7FFFFFFF, v20;
	v18 =	vsub.f32 v19, v21;
	v19 =	vld [tilespmem:s12+$0x10]  }
0x4e: {  	v5 =	vadd.f32 v5, v7;
	v7 =	vand.u32 $0x7FFFFFFF, v12;
	v12 =	vsub.f32 v17, v24;
	v17 =	vld [tilespmem:s12+$0x30]  }
0x4f: {  	v6 =	vadd.f32 v10, v6;
	v10 =	vand.u32 $0x7FFFFFFF, v18;
	v15 =	vsub.f32 v15, v21;
	v18 =	vld [tilespmem:s12+$0x0]  }
0x50: {  	v5 =	vadd.f32 v9, v5;
	v9 =	vand.u32 $0x7FFFFFFF, v13;
	v13 =	vbroadcast v2, $0x8;
	v20 =	vld [tilespmem:s12+$0x60]  }
0x51: {  	v6 =	vadd.f32 v14, v6;
	v21 =	vbroadcast v2, $0x9;
	v12 =	vand.u32 $0x7FFFFFFF, v12;
	v14 =	vld [tilespmem:s12+$0x20]  }
0x52: {  	v5 =	vadd.f32 v11, v5;
	v11 =	vand.u32 $0x7FFFFFFF, v15;
	v15 =	vsub.f32 v19, v13;
	v19 =	vld [tilespmem:s12+$0x90]  }
0x53: {  	v23 =	vbroadcast v2, $0xD;
	v6 =	vadd.f32 v7, v6;
	v7 =	vsub.f32 v17, v21;
	v17 =	vld [tilespmem:s12+$0x50]  }
0x54: {  	v8 =	vadd.f32 v8, v5;
	v13 =	vsub.f32 v18, v13;
	v18 =	vand.u32 $0x7FFFFFFF, v15;
	v24 =	vld [tilespmem:s12+$0xA0]  }
0x55: {  	v6 =	vadd.f32 v9, v6;
	v5 =	vand.u32 $0x7FFFFFFF, v16;
	v16 =	vld [tilespmem:s12+$0x70];
	v9 =	vsub.f32 v20, v3  }
0x56: {  	v20 =	vand.u32 $0x7FFFFFFF, v7;
	v13 =	vand.u32 $0x7FFFFFFF, v13;
	v14 =	vsub.f32 v14, v21;
	v21 =	vld [tilespmem:s12+$0xC0]  }
0x57: {  	v12 =	vadd.f32 v12, v8;
	v11 =	vadd.f32 v11, v6;
	v7 =	vand.u32 $0x7FFFFFFF, v9;
	v25 =	vld [tilespmem:s12+$0xB0]  }
.Ltmp0:
0x58: {  	v6 =	vsub.f32 v19, v1;
	v15 =	vand.u32 $0x7FFFFFFF, v14;
	v8 =	vsub.f32 v17, v22;
	v9 =	vld [tilespmem:s12+$0xF0];
	(pc) =	sbr.rel @p0 .LBB2_2-.Ltmp0, $4  }
0x59: {  	v18 =	vadd.f32 v18, v11;
	v17 =	vadd.f32 v10, v12;
	v10 =	vbroadcast v2, $0xE;
	v11 =	vld [tilespmem:s12+$0xD0]  }
0x5a: {  	v12 =	vbroadcast v2, $0xF;
	v14 =	vsub.f32 v24, v23;
	v3 =	vsub.f32 v16, v3  }
0x5b: {  	v2 =	vadd.f32 v13, v17;
	v13 =	vadd.f32 v20, v18;
	v17 =	vld [tilespmem:s12+$0x80]  }
0x5c: {  	v18 =	vsub.f32 v21, v10;
	s12 =	sadd.s32 $0x200, s12;
	v16 =	vsub.f32 v25, v23  }
0x5d: {  	v2 =	vadd.f32 v15, v2;
	_ =	sdelay $0x1  }
0x5e: {  	v58 =	vand.u32 $0x7FFFFFFF, v8;
	v2 =	vadd.f32 v5, v2  }
0x5f: {  	v5 =	vadd.f32 v58, v13;
	v1 =	vsub.f32 v17, v1  }
0x60: {  	v3 =	vand.u32 $0x7FFFFFFF, v3;
	v2 =	vadd.f32 v7, v2  }
0x61: {  	v3 =	vadd.f32 v3, v5;
	v1 =	vand.u32 $0x7FFFFFFF, v1  }
0x62: {  	v59 =	vand.u32 $0x7FFFFFFF, v6;
	v1 =	vadd.f32 v1, v2  }
0x63: {  	v2 =	vand.u32 $0x7FFFFFFF, v14;
	v3 =	vadd.f32 v59, v3  }
0x64: {  	v60 =	vsub.f32 v11, v10;
	v61 =	vand.u32 $0x7FFFFFFF, v16;
	v1 =	vadd.f32 v2, v1  }
0x65: {  	v4 =	vsub.f32 v4, v12;
	v2 =	vand.u32 $0x7FFFFFFF, v18;
	v3 =	vadd.f32 v61, v3  }
0x66: {  	v62 =	vsub.f32 v9, v12;
	v5 =	vand.u32 $0x7FFFFFFF, v60;
	v1 =	vadd.f32 v2, v1  }
0x67: {  	v2 =	vand.u32 $0x7FFFFFFF, v4;
	v3 =	vadd.f32 v5, v3  }
0x68: {  	v63 =	vand.u32 $0x7FFFFFFF, v62;
	v1 =	vadd.f32 v2, v1  }
0x69: {  	[tilespmem:$0x6320] =	vst v0;
	v2 =	vadd.f32 v63, v3  }
0x6a: {  	[tilespmem:$0x6300] =	vst v1  }
0x6b: {  	s11 =	simm.s32 $0x6300;
	[tilespmem:$0x6310] =	vst v2  }
0x6c: {  	v1 =	vld [tilespmem:s11+$0x0];
	_ =	sdelay $0x4  }
0x6d: {  	(v2sf) =	vpush v1, $0x0;
	_ =	sdelay $0x8  }
0x6e: {  	s30 =	simm.s32 $0x6301  }
0x6f: {  	v1 =	vld [tilespmem:s30+$0x0];
	_ =	sdelay $0x1  }
0x70: {  	s31 =	simm.s32 $0x6302  }
0x71: {  	v2 =	vld [tilespmem:s31+$0x0];
	_ =	sdelay $0x1  }
0x72: {  	s19 =	spop (v2sf);
	(v2sf) =	vpush v1, $0x0;
	_ =	sdelay $0x1  }
0x73: {  	s13 =	simm.f32 $+Inf  }
0x74: {  	s16 =	simm.s32 $0x0;
	s17 =	simm.s32 $0x1;
	s14 =	simm.s32 $0x2;
	(v2sf) =	vpush v2, $0x0  }
0x75: {  	s12 =	simm.s32 $0x3;
	s21 =	simm.s32 $0x4;
	s18 =	simm.f32 $+Inf  }
0x76: {  	s22 =	simm.s32 $0x6303;
	s15 =	simm.f32 $+Inf;
	p0 =	slt.f32 s19, s13  }
0x77: {  	s23 =	simm.s32 $0x0;
	s24 =	simm.f32 $+Inf;
	s20 =	simm.s32 $0x0  }
0x78: {  	s25 =	simm.s32 $0x0;
	s11 =	simm.s32 $0x0;
	s18 =	smov.u32 @p0 s19  }
0x79: {  	s11 =	smov.u32 @p0 s11;
	p3 =	por p0, p0;
	p1 =	por p0, p0  }
.LBB2_4:
0x7a: {  	p2 =	sne.s32 s21, $0x1F  }
0x7b: {  	s18 =	smov.u32 @p0 s13;
	s15 =	smov.u32 @p3 s19;
	s26 =	smov.u32 s21  }
0x7c: {  	v1 =	vld [tilespmem:s22+$0x0];
	s21 =	sadd.s32 $0x1, s21;
	s13 =	smov.u32 @p0 s19;
	s19 =	smov.u32 s20  }
0x7d: {  	s16 =	smov.u32 @p0 s23;
	s15 =	smov.u32 @p1 s24;
	s19 =	smov.u32 @p1 s23  }
0x7e: {  	s11 =	smov.u32 @p1 s20;
	s24 =	smov.u32 s18;
	s20 =	smov.u32 s19  }
.Ltmp1:
0x7f: {  	s20 =	smov.u32 @p0 s25;
	(pc) =	sbr.rel @p2 .LBB2_4-.Ltmp1, $4  }
0x80: {  	s23 =	smov.u32 s17;
	s17 =	smov.u32 s14;
	s19 =	spop (v2sf)  }
0x81: {  	s14 =	smov.u32 s12;
	(v2sf) =	vpush v1, $0x0;
	p1 =	slt.f32 s19, s18;
	p3 =	slt.f32 s19, s15  }
0x82: {  	s12 =	smov.u32 s26;
	s25 =	smov.u32 s16;
	p0 =	slt.f32 s19, s13  }
0x83: {  	s22 =	sadd.s32 $0x1, s22;
	s18 =	smov.u32 @p1 s19;
	s11 =	smov.u32 @p3 s23  }
0x84: {  	v1 =	vld [tilespmem:s22+$0x0];
	_ =	sdelay $0x4  }
0x85: {  	s22 =	spop (v2sf);
	(v2sf) =	vpush v1, $0x0;
	_ =	sdelay $0x2  }
0x86: {  	s18 =	smov.u32 @p0 s13;
	s15 =	smov.u32 @p3 s19;
	s21 =	smov.u32 s20  }
0x87: {  	s16 =	smov.u32 @p0 s23;
	s15 =	smov.u32 @p1 s24;
	s21 =	smov.u32 @p1 s23  }
0x88: {  	s13 =	smov.u32 @p0 s19;
	s21 =	smov.u32 @p0 s25;
	p0 =	slt.f32 s22, s15  }
0x89: {  	s11 =	smov.u32 @p1 s20;
	p2 =	slt.f32 s22, s18;
	p1 =	slt.f32 s22, s13  }
0x8a: {  	s19 =	smov.u32 s18;
	s20 =	smov.u32 s16;
	s15 =	smov.u32 @p0 s22  }
0x8b: {  	s19 =	smov.u32 @p2 s22;
	s15 =	smov.u32 @p2 s18;
	s18 =	smov.u32 s21  }
0x8c: {  	s20 =	smov.u32 @p1 s17;
	s11 =	smov.u32 @p0 s17;
	s18 =	smov.u32 @p2 s17  }
0x8d: {  	s19 =	smov.u32 @p1 s13;
	s18 =	smov.u32 @p1 s16;
	s16 =	spop (v2sf)  }
0x8e: {  	s13 =	smov.u32 @p1 s22;
	p0 =	slt.f32 s16, s19;
	p1 =	slt.f32 s16, s15  }
0x8f: {  	s11 =	smov.u32 @p2 s21;
	s17 =	smov.u32 s19;
	p2 =	slt.f32 s16, s13  }
0x90: {  	s21 =	smov.u32 s20;
	s17 =	smov.u32 @p0 s16;
	s11 =	smov.u32 @p1 s14  }
0x91: {  	s15 =	smov.u32 @p1 s16;
	s21 =	smov.u32 @p2 s14;
	s17 =	smov.u32 @p2 s13  }
0x92: {  	s13 =	smov.u32 @p2 s16;
	s16 =	smov.u32 s18;
	s31 =	spop (v2sf)  }
0x93: {  	s15 =	smov.u32 @p0 s19;
	s16 =	smov.u32 @p0 s14;
	p1 =	slt.f32 s31, s13  }
0x94: {  	s16 =	smov.u32 @p2 s20;
	p2 =	slt.f32 s31, s17;
	s13 =	smov.u32 s21  }
0x95: {  	s14 =	smov.u32 s16;
	p3 =	slt.f32 s31, s15;
	s13 =	smov.u32 @p1 s12  }
0x96: {  	s11 =	smov.u32 @p0 s18;
	s14 =	smov.u32 @p2 s12;
	v1 =	vmov s13  }
0x97: {  	s11 =	smov.u32 @p3 s12;
	s14 =	smov.u32 @p1 s21;
	v1 =	vnsel vm0, $0x0, v1  }
0x98: {  	s10 =	sadd.s32 $0x1, s10;
	s11 =	smov.u32 @p2 s16;
	v1 =	vsel vm1, s14, v1  }
0x99: {  	p0 =	sne.s32 s10, s6;
	v1 =	vsel vm2, s11, v1  }
.Ltmp2:
0x9a: {  	[tilespmem:$0x6380] =	vst v1;
	(pc) =	sbr.rel @p0 .LBB2_1-.Ltmp2, $4  }
0x9b: {  	[hbm4b:s5+s2] =	stream.linear.scatter [tilespmem:s9], [sflag:$0x1], $0x80, $0x38;
	[tilespmem:$0x6400] =	vst v63  }
0x9c: {  	_ =	swait.ge [sflag:s7], $0x80  }
0x9d: {  	[sflag:s7] =	ssyncset.done $0x0  }
0x9e: {  	[sflag:s7] =	ssyncadd.s32 $0xFFFFFF80  }
0x9f: {  	_ =	sfence.sel $0x180000  }
0xa0: {  	[bflag:$0x0] =	sbarrier.arrive $0xFFFF  }
0xa1: {  	p0 =	sne.s32 s1, $0x0;
	_ =	strace $0x90000047  }
0xa2: {  	s0 =	sadd.s32 @!p0 $0x100000, s0;
	[bflag:$0x2] =	sbarrier.arrive $0xFFFF  }
0xa3: {  	[sflag:s0] =	ssyncadd.tile.s32 @!p0 $0x1;
	_ =	shalt  }
.Lfunc_end2:
_tile_overlayer_lowered:
.L_overlay_start_2:
0xa4: {  	(tag) =	ssettag $0x2  }
0xa5: {  	s0 =	rddreg [dreg:$0x0];
	s2 =	stileid.u32  }
0xa6: {  	s1 =	rddreg [dreg:$0x1];
	p0 =	sne.s32 s2, $0x0  }
0xa7: {  	s3 =	rddreg [dreg:$0x2];
	[bflag:$0x3] =	sbarrier.arrive $0xFFFF;
	s2 =	simm.s32 @!p0 $0x1C01  }
0xa8: {  	[timem:s3], [sflag:s2] =	dma.local @!p0 [hbm:s0], s1  }
0xa9: {  	s0 =	simm.s32 @!p0 $0x1  }
0xaa: {  	_ =	swait.ge @!p0 [sflag:s0], s1  }
0xab: {  	s1 =	ssub.s32 @!p0 $0x0, s1;
	[sflag:s0] =	ssyncset.done @!p0 $0x0  }
0xac: {  	[sflag:s0] =	ssyncadd.s32 @!p0 s1  }
0xad: {  	[bflag:$0x3] =	sbarrier.arrive $0xFFFF  }
0xae: {  	_ =	shalt  }

</sc_bundles>
